<compile_context>
chip_gen: v7x
topology: tpu7x:2x2x1
jax: 0.10.2.dev20260603
libtpu: 0.0.44.dev20260713+nightly
codegen_flags: <defaults>
</compile_context>

<pallas_src>
import functools

import jax
import jax.numpy as jnp
from jax import lax
from jax.experimental import pallas as pl
from jax.experimental.pallas import tpu as pltpu
from jax.experimental.pallas import tpu_sc as plsc

_NC = 2
_NS = 16
_NW = _NC * _NS
_L = 16


def _sc_aggregate(x_pairs, rel_pairs, se, dst):
    _, pp, n = x_pairs.shape
    r = rel_pairs.shape[2]
    e = se.shape[0]
    dp = 2 * pp

    ch = 4000
    assert e % (2 * ch) == 0
    nch = e // ch
    gpc = ch // _L

    mesh = plsc.VectorSubcoreMesh(core_axis_name="c", subcore_axis_name="s")

    @functools.partial(
        pl.kernel,
        out_type=jax.ShapeDtypeStruct((_NW, dp, n), jnp.float32),
        mesh=mesh,
        compiler_params=pltpu.CompilerParams(needs_layout_passes=False),
        scratch_types=(
            [pltpu.VMEM((n,), jnp.int32) for _ in range(pp)]
            + [pltpu.VMEM((r,), jnp.int32) for _ in range(pp)]
            + [pltpu.VMEM((n,), jnp.float32) for _ in range(dp)]
            + [pltpu.VMEM((ch,), jnp.int32) for _ in range(4)]
            + [pltpu.SemaphoreType.DMA] * 3
        ),
    )
    def agg_kernel(x_hbm, rel_hbm, se_hbm, dst_hbm, out_hbm, *refs):
        xs = refs[0:pp]
        rs = refs[pp:2 * pp]
        accs = refs[2 * pp:2 * pp + dp]
        ebufs = refs[2 * pp + dp:2 * pp + dp + 4]
        sbufs = ebufs[0:2]
        dbufs = ebufs[2:4]
        sem_x, sem0, sem1 = refs[2 * pp + dp + 4:]
        sems = (sem0, sem1)

        cid = lax.axis_index("c")
        sid = lax.axis_index("s")
        wid = sid * _NC + cid

        for p in range(pp):
            pltpu.async_copy(x_hbm.at[wid, p], xs[p], sem_x)
            pltpu.async_copy(rel_hbm.at[wid, p], rs[p], sem_x)

        def zero_body(i, carry):
            for c in range(dp):
                accs[c][pl.ds(i * _L, _L)] = jnp.zeros((_L,), jnp.float32)
            return carry
        lax.fori_loop(0, n // _L, zero_body, 0, unroll=8)

        for p in range(pp):
            pltpu.make_async_copy(x_hbm.at[wid, p], xs[p], sem_x).wait()
            pltpu.make_async_copy(rel_hbm.at[wid, p], rs[p], sem_x).wait()

        def start(k, slot):
            off = k * ch
            pltpu.async_copy(se_hbm.at[pl.ds(off, ch)], sbufs[slot], sems[slot])
            pltpu.async_copy(dst_hbm.at[pl.ds(off, ch)], dbufs[slot], sems[slot])

        def wait(k, slot):
            off = k * ch
            pltpu.make_async_copy(se_hbm.at[pl.ds(off, ch)], sbufs[slot], sems[slot]).wait()
            pltpu.make_async_copy(dst_hbm.at[pl.ds(off, ch)], dbufs[slot], sems[slot]).wait()

        start(0, 0)

        himask = jnp.int32(-65536)

        def process(slot):
            sb, db = sbufs[slot], dbufs[slot]

            def load_idx(g):
                base = g * _L
                return sb[pl.ds(base, _L)], db[pl.ds(base, _L)]

            def gather(pk):
                s = lax.shift_right_logical(pk, 8)
                t = lax.bitwise_and(pk, jnp.int32(255))
                xw = [plsc.load_gather(xs[p], [s]) for p in range(pp)]
                rw = [plsc.load_gather(rs[p], [t]) for p in range(pp)]
                return xw, rw

            def compute(xw, rw, d):
                for p in range(pp):
                    xa = plsc.bitcast(lax.shift_left(xw[p], 16), jnp.float32)
                    xb = plsc.bitcast(lax.bitwise_and(xw[p], himask), jnp.float32)
                    ra = plsc.bitcast(lax.shift_left(rw[p], 16), jnp.float32)
                    rb = plsc.bitcast(lax.bitwise_and(rw[p], himask), jnp.float32)
                    plsc.addupdate_scatter(accs[2 * p], [d], xa - ra)
                    plsc.addupdate_scatter(accs[2 * p + 1], [d], xb - rb)

            def body(g, carry):
                pk1, d1, xw, rw, d0 = carry
                pk2, d2 = load_idx(g + 2)
                xw1, rw1 = gather(pk1)
                compute(xw, rw, d0)
                return (pk2, d2, xw1, rw1, d1)

            pk0, d0 = load_idx(0)
            pk1, d1 = load_idx(1)
            xw0, rw0 = gather(pk0)
            carry = (pk1, d1, xw0, rw0, d0)
            carry = lax.fori_loop(0, gpc - 2, body, carry, unroll=8)
            pk1, d1, xw, rw, d0 = carry
            xw1, rw1 = gather(pk1)
            compute(xw, rw, d0)
            compute(xw1, rw1, d1)

        def outer(k2, carry):
            for b in range(2):
                kk = k2 * 2 + b

                @pl.when(kk + 1 < nch)
                def _():
                    start(kk + 1, 1 - b)

                wait(kk, b)
                process(b)
            return carry
        lax.fori_loop(0, nch // 2, outer, 0)

        for c in range(dp):
            pltpu.sync_copy(accs[c], out_hbm.at[wid, c])

    return agg_kernel(x_pairs, rel_pairs, se, dst)


def _pack_pairs(a):
    m, d = a.shape
    bf = a.astype(jnp.bfloat16).reshape(m, d // 2, 2)
    words = lax.bitcast_convert_type(bf, jnp.int32)
    return words.T.reshape(_NW, -1, m)


def _tc_finish(agg_n, w, norm):
    n, d = agg_n.shape
    nb = 2000
    assert n % nb == 0

    def body(a_ref, w_ref, nrm_ref, o_ref):
        o_ref[...] = jnp.dot(
            a_ref[...], w_ref[...], preferred_element_type=jnp.float32
        ) * nrm_ref[...]

    return pl.pallas_call(
        body,
        grid=(n // nb,),
        in_specs=[
            pl.BlockSpec((nb, d), lambda i: (i, 0)),
            pl.BlockSpec((d, d), lambda i: (0, 0)),
            pl.BlockSpec((nb, 1), lambda i: (i, 0)),
        ],
        out_specs=pl.BlockSpec((nb, d), lambda i: (i, 0)),
        out_shape=jax.ShapeDtypeStruct((n, d), jnp.float32),
    )(agg_n, w, norm)


def kernel(x, edge_index, edge_type, norm, emb_rel, pm_pd, W):
    n, d = x.shape

    x_pairs = _pack_pairs(x)
    rel_pairs = _pack_pairs(emb_rel)
    src = edge_index[0].astype(jnp.int32)
    dst = edge_index[1].astype(jnp.int32)
    et = edge_type.astype(jnp.int32)
    se = lax.shift_left(src, 8) | et

    agg = _sc_aggregate(x_pairs, rel_pairs, se, dst)
    agg_n = agg.reshape(d, n).T
    return _tc_finish(agg_n, W, norm)

# --- scband reference (transcript-rebuilt; emitter-appended) ---
"""Pipeline reference for scband-comp-gcnlayer-74431783240016 (READ-ONLY COPY).

The authoritative reference and input builder live on the scoring server;
editing this copy changes nothing except your own understanding.
"""

import jax, jax.numpy as jnp
import numpy as np

N = 10000
E = 320000
D = 128
R = 200


def setup_inputs(seed: int = 0) -> dict:
    key = jax.random.key(seed)
    k1, k2, k3, k4, k5, k6 = jax.random.split(key, 6)
    x = jax.random.normal(k1, (N, D), dtype=jnp.float32)
    edge_index = jax.random.randint(k2, (2, E), 0, N)
    edge_type = jax.random.randint(k3, (E,), 0, R)
    norm = jax.random.uniform(k4, (N, 1), dtype=jnp.float32)
    emb_rel = jax.random.normal(k5, (R, D), dtype=jnp.float32)
    # learned parameter: weight_neighbor (xavier-like scale)
    W = jax.random.normal(k6, (D, D), dtype=jnp.float32) * (1.0 / np.sqrt(D))
    pm_pd = jnp.zeros((1,), dtype=jnp.float32)  # unused by forward, kept for signature fidelity
    return {"x": x, "edge_index": edge_index, "edge_type": edge_type,
            "norm": norm, "emb_rel": emb_rel, "pm_pd": pm_pd, "W": W}


def reference(x, edge_index, edge_type, norm, emb_rel, pm_pd, W):
    # CompGCNLayer.forward with comp='sub', self_loop=False, skip_connect=False,
    # activation=None, dropout=0: msg = (h[src] - rel_emb[etype]) @ W_neighbor,
    # aggregated by sum over dst, then h = h * norm (apply_func).
    src = edge_index[0]
    dst = edge_index[1]
    relation = jnp.take(emb_rel, edge_type, axis=0)   # gather: rel_emb.index_select(0, type)
    node = jnp.take(x, src, axis=0)                   # gather: edges.src['h']
    msg = jnp.dot(node - relation, W)                 # comp='sub' then mm with weight_neighbor
    h = jax.ops.segment_sum(msg, dst, num_segments=x.shape[0])  # fn.sum(msg -> h)
    h = h * norm                                      # apply_func: h * norm
    return h

if __name__ == "__main__":
    import jax
    _d = setup_inputs()
    print(jax.jit(kernel)(*tuple(_d.values())))

</pallas_src>

<mosaic_0001>
#map = affine_map<(d0, d1) -> (0, 0, 0)>
#map1 = affine_map<(d0, d1) -> (0)>
module attributes {stable_mosaic.version = 14 : i64} {
  func.func @agg_kernel(%arg0: i32, %arg1: i32, %arg2: memref<32x2x10000xi32, #tpu.memory_space<hbm>>, %arg3: memref<32x2x200xi32, #tpu.memory_space<hbm>>, %arg4: memref<320000xi32, #tpu.memory_space<hbm>>, %arg5: memref<320000xi32, #tpu.memory_space<hbm>>, %arg6: memref<32x4x10000xf32, #tpu.memory_space<hbm>>, %arg7: memref<10000xi32, #tpu.memory_space<vmem>>, %arg8: memref<10000xi32, #tpu.memory_space<vmem>>, %arg9: memref<200xi32, #tpu.memory_space<vmem>>, %arg10: memref<200xi32, #tpu.memory_space<vmem>>, %arg11: memref<10000xf32, #tpu.memory_space<vmem>>, %arg12: memref<10000xf32, #tpu.memory_space<vmem>>, %arg13: memref<10000xf32, #tpu.memory_space<vmem>>, %arg14: memref<10000xf32, #tpu.memory_space<vmem>>, %arg15: memref<4000xi32, #tpu.memory_space<vmem>>, %arg16: memref<4000xi32, #tpu.memory_space<vmem>>, %arg17: memref<4000xi32, #tpu.memory_space<vmem>>, %arg18: memref<4000xi32, #tpu.memory_space<vmem>>, %arg19: memref<!tpu.dma_semaphore, #tpu.memory_space<semaphore_mem>>, %arg20: memref<!tpu.dma_semaphore, #tpu.memory_space<semaphore_mem>>, %arg21: memref<!tpu.dma_semaphore, #tpu.memory_space<semaphore_mem>>) attributes {dimension_semantics = [#tpu.dimension_semantics<core_parallel>, #tpu.dimension_semantics<subcore_parallel>], iteration_bounds = array<i64: 2, 16>, scalar_prefetch = 0 : i64, scratch_operands = 15 : i64, tpu.core_type = #tpu.core_type<sc_vector_subcore>, window_params = [{transform_indices = #map}, {transform_indices = #map}, {transform_indices = #map1}, {transform_indices = #map1}, {transform_indices = #map}]} {
    %mul3A = arith.constant 2 : i32
    %mul3A_0 = arith.muli %arg1, %mul3A : i32
    %add3A = arith.addi %mul3A_0, %arg0 : i32
    %dma_start3A = arith.constant 0 : i32
    %dma_start3A_1 = arith.constant 0 : i32
    %dma_start3A_2 = tpu.memref_slice %arg2[%add3A, %dma_start3A, %dma_start3A_1] : memref<32x2x10000xi32, #tpu.memory_space<hbm>> -> memref<1x1x10000xi32, #tpu.memory_space<hbm>>
    %dma_start3A_3 = tpu.memref_squeeze %dma_start3A_2 : memref<1x1x10000xi32, #tpu.memory_space<hbm>> -> memref<10000xi32, #tpu.memory_space<hbm>>
    %dma_start3A_4 = arith.constant 0 : i32
    %dma_start3A_5 = tpu.memref_slice %arg2[%add3A, %dma_start3A, %dma_start3A_4] : memref<32x2x10000xi32, #tpu.memory_space<hbm>> -> memref<1x1x10000xi32, #tpu.memory_space<hbm>>
    %dma_start3A_6 = tpu.memref_squeeze %dma_start3A_5 : memref<1x1x10000xi32, #tpu.memory_space<hbm>> -> memref<10000xi32, #tpu.memory_space<hbm>>
    tpu.enqueue_dma source(%dma_start3A_6 : memref<10000xi32, #tpu.memory_space<hbm>>) target(%arg7 : memref<10000xi32, #tpu.memory_space<vmem>>) target_semaphore(%arg19 : memref<!tpu.dma_semaphore, #tpu.memory_space<semaphore_mem>>)
    %dma_start3A_7 = arith.constant 0 : i32
    %dma_start3A_8 = arith.constant 0 : i32
    %dma_start3A_9 = tpu.memref_slice %arg3[%add3A, %dma_start3A_7, %dma_start3A_8] : memref<32x2x200xi32, #tpu.memory_space<hbm>> -> memref<1x1x200xi32, #tpu.memory_space<hbm>>
    %dma_start3A_10 = tpu.memref_squeeze %dma_start3A_9 : memref<1x1x200xi32, #tpu.memory_space<hbm>> -> memref<200xi32, #tpu.memory_space<hbm>>
    %dma_start3A_11 = arith.constant 0 : i32
    %dma_start3A_12 = tpu.memref_slice %arg3[%add3A, %dma_start3A_7, %dma_start3A_11] : memref<32x2x200xi32, #tpu.memory_space<hbm>> -> memref<1x1x200xi32, #tpu.memory_space<hbm>>
    %dma_start3A_13 = tpu.memref_squeeze %dma_start3A_12 : memref<1x1x200xi32, #tpu.memory_space<hbm>> -> memref<200xi32, #tpu.memory_space<hbm>>
    tpu.enqueue_dma source(%dma_start3A_13 : memref<200xi32, #tpu.memory_space<hbm>>) target(%arg9 : memref<200xi32, #tpu.memory_space<vmem>>) target_semaphore(%arg19 : memref<!tpu.dma_semaphore, #tpu.memory_space<semaphore_mem>>)
    %dma_start3A_14 = arith.constant 1 : i32
    %dma_start3A_15 = arith.constant 0 : i32
    %dma_start3A_16 = tpu.memref_slice %arg2[%add3A, %dma_start3A_14, %dma_start3A_15] : memref<32x2x10000xi32, #tpu.memory_space<hbm>> -> memref<1x1x10000xi32, #tpu.memory_space<hbm>>
    %dma_start3A_17 = tpu.memref_squeeze %dma_start3A_16 : memref<1x1x10000xi32, #tpu.memory_space<hbm>> -> memref<10000xi32, #tpu.memory_space<hbm>>
    %dma_start3A_18 = arith.constant 0 : i32
    %dma_start3A_19 = tpu.memref_slice %arg2[%add3A, %dma_start3A_14, %dma_start3A_18] : memref<32x2x10000xi32, #tpu.memory_space<hbm>> -> memref<1x1x10000xi32, #tpu.memory_space<hbm>>
    %dma_start3A_20 = tpu.memref_squeeze %dma_start3A_19 : memref<1x1x10000xi32, #tpu.memory_space<hbm>> -> memref<10000xi32, #tpu.memory_space<hbm>>
    tpu.enqueue_dma source(%dma_start3A_20 : memref<10000xi32, #tpu.memory_space<hbm>>) target(%arg8 : memref<10000xi32, #tpu.memory_space<vmem>>) target_semaphore(%arg19 : memref<!tpu.dma_semaphore, #tpu.memory_space<semaphore_mem>>)
    %dma_start3A_21 = arith.constant 1 : i32
    %dma_start3A_22 = arith.constant 0 : i32
    %dma_start3A_23 = tpu.memref_slice %arg3[%add3A, %dma_start3A_21, %dma_start3A_22] : memref<32x2x200xi32, #tpu.memory_space<hbm>> -> memref<1x1x200xi32, #tpu.memory_space<hbm>>
    %dma_start3A_24 = tpu.memref_squeeze %dma_start3A_23 : memref<1x1x200xi32, #tpu.memory_space<hbm>> -> memref<200xi32, #tpu.memory_space<hbm>>
    %dma_start3A_25 = arith.constant 0 : i32
    %dma_start3A_26 = tpu.memref_slice %arg3[%add3A, %dma_start3A_21, %dma_start3A_25] : memref<32x2x200xi32, #tpu.memory_space<hbm>> -> memref<1x1x200xi32, #tpu.memory_space<hbm>>
    %dma_start3A_27 = tpu.memref_squeeze %dma_start3A_26 : memref<1x1x200xi32, #tpu.memory_space<hbm>> -> memref<200xi32, #tpu.memory_space<hbm>>
    tpu.enqueue_dma source(%dma_start3A_27 : memref<200xi32, #tpu.memory_space<hbm>>) target(%arg10 : memref<200xi32, #tpu.memory_space<vmem>>) target_semaphore(%arg19 : memref<!tpu.dma_semaphore, #tpu.memory_space<semaphore_mem>>)
    %scan3A = arith.constant 0 : i32
    %scan3A_28 = arith.constant 0 : i32
    %scan3A_29 = arith.constant 624 : i32
    %scan3A_30 = arith.addi %scan3A_28, %scan3A_29 : i32
    %scan3A_31 = arith.constant 8 : i32
    scf.for %scan3A_102 = %scan3A_28 to %scan3A_30 step %scan3A_31  : i32 {
      %broadcast_in_dim3A_103 = arith.constant 0.000000e+00 : f32
      %broadcast_in_dim3A_104 = vector.broadcast %broadcast_in_dim3A_103 : f32 to vector<16xf32>
      %mul3A_105 = arith.constant 16 : i32
      %mul3A_106 = arith.muli %scan3A_102, %mul3A_105 : i32
      %swap3A_107 = arith.index_cast %mul3A_106 : i32 to index
      %swap3A_108 = tpu.vector_load %arg11[%swap3A_107] {strides = array<i32>} : memref<10000xf32, #tpu.memory_space<vmem>>, vector<16xf32>,
      tpu.vector_store %arg11[%swap3A_107], %broadcast_in_dim3A_104 {strides = array<i32>} : memref<10000xf32, #tpu.memory_space<vmem>>, vector<16xf32>,
      %broadcast_in_dim3A_109 = arith.constant 0.000000e+00 : f32
      %broadcast_in_dim3A_110 = vector.broadcast %broadcast_in_dim3A_109 : f32 to vector<16xf32>
      %mul3A_111 = arith.constant 16 : i32
      %mul3A_112 = arith.muli %scan3A_102, %mul3A_111 : i32
      %swap3A_113 = arith.index_cast %mul3A_112 : i32 to index
      %swap3A_114 = tpu.vector_load %arg12[%swap3A_113] {strides = array<i32>} : memref<10000xf32, #tpu.memory_space<vmem>>, vector<16xf32>,
      tpu.vector_store %arg12[%swap3A_113], %broadcast_in_dim3A_110 {strides = array<i32>} : memref<10000xf32, #tpu.memory_space<vmem>>, vector<16xf32>,
      %broadcast_in_dim3A_115 = arith.constant 0.000000e+00 : f32
      %broadcast_in_dim3A_116 = vector.broadcast %broadcast_in_dim3A_115 : f32 to vector<16xf32>
      %mul3A_117 = arith.constant 16 : i32
      %mul3A_118 = arith.muli %scan3A_102, %mul3A_117 : i32
      %swap3A_119 = arith.index_cast %mul3A_118 : i32 to index
      %swap3A_120 = tpu.vector_load %arg13[%swap3A_119] {strides = array<i32>} : memref<10000xf32, #tpu.memory_space<vmem>>, vector<16xf32>,
      tpu.vector_store %arg13[%swap3A_119], %broadcast_in_dim3A_116 {strides = array<i32>} : memref<10000xf32, #tpu.memory_space<vmem>>, vector<16xf32>,
      %broadcast_in_dim3A_121 = arith.constant 0.000000e+00 : f32
      %broadcast_in_dim3A_122 = vector.broadcast %broadcast_in_dim3A_121 : f32 to vector<16xf32>
      %mul3A_123 = arith.constant 16 : i32
      %mul3A_124 = arith.muli %scan3A_102, %mul3A_123 : i32
      %swap3A_125 = arith.index_cast %mul3A_124 : i32 to index
      %swap3A_126 = tpu.vector_load %arg14[%swap3A_125] {strides = array<i32>} : memref<10000xf32, #tpu.memory_space<vmem>>, vector<16xf32>,
      tpu.vector_store %arg14[%swap3A_125], %broadcast_in_dim3A_122 {strides = array<i32>} : memref<10000xf32, #tpu.memory_space<vmem>>, vector<16xf32>,
      %scan3A_127 = arith.constant 1 : i32
      %scan3A_128 = arith.addi %scan3A_102, %scan3A_127 : i32
      %broadcast_in_dim3A_129 = arith.constant 0.000000e+00 : f32
      %broadcast_in_dim3A_130 = vector.broadcast %broadcast_in_dim3A_129 : f32 to vector<16xf32>
      %mul3A_131 = arith.constant 16 : i32
      %mul3A_132 = arith.muli %scan3A_128, %mul3A_131 : i32
      %swap3A_133 = arith.index_cast %mul3A_132 : i32 to index
      %swap3A_134 = tpu.vector_load %arg11[%swap3A_133] {strides = array<i32>} : memref<10000xf32, #tpu.memory_space<vmem>>, vector<16xf32>,
      tpu.vector_store %arg11[%swap3A_133], %broadcast_in_dim3A_130 {strides = array<i32>} : memref<10000xf32, #tpu.memory_space<vmem>>, vector<16xf32>,
      %broadcast_in_dim3A_135 = arith.constant 0.000000e+00 : f32
      %broadcast_in_dim3A_136 = vector.broadcast %broadcast_in_dim3A_135 : f32 to vector<16xf32>
      %mul3A_137 = arith.constant 16 : i32
      %mul3A_138 = arith.muli %scan3A_128, %mul3A_137 : i32
      %swap3A_139 = arith.index_cast %mul3A_138 : i32 to index
      %swap3A_140 = tpu.vector_load %arg12[%swap3A_139] {strides = array<i32>} : memref<10000xf32, #tpu.memory_space<vmem>>, vector<16xf32>,
      tpu.vector_store %arg12[%swap3A_139], %broadcast_in_dim3A_136 {strides = array<i32>} : memref<10000xf32, #tpu.memory_space<vmem>>, vector<16xf32>,
      %broadcast_in_dim3A_141 = arith.constant 0.000000e+00 : f32
      %broadcast_in_dim3A_142 = vector.broadcast %broadcast_in_dim3A_141 : f32 to vector<16xf32>
      %mul3A_143 = arith.constant 16 : i32
      %mul3A_144 = arith.muli %scan3A_128, %mul3A_143 : i32
      %swap3A_145 = arith.index_cast %mul3A_144 : i32 to index
      %swap3A_146 = tpu.vector_load %arg13[%swap3A_145] {strides = array<i32>} : memref<10000xf32, #tpu.memory_space<vmem>>, vector<16xf32>,
      tpu.vector_store %arg13[%swap3A_145], %broadcast_in_dim3A_142 {strides = array<i32>} : memref<10000xf32, #tpu.memory_space<vmem>>, vector<16xf32>,
      %broadcast_in_dim3A_147 = arith.constant 0.000000e+00 : f32
      %broadcast_in_dim3A_148 = vector.broadcast %broadcast_in_dim3A_147 : f32 to vector<16xf32>
      %mul3A_149 = arith.constant 16 : i32
      %mul3A_150 = arith.muli %scan3A_128, %mul3A_149 : i32
      %swap3A_151 = arith.index_cast %mul3A_150 : i32 to index
      %swap3A_152 = tpu.vector_load %arg14[%swap3A_151] {strides = array<i32>} : memref<10000xf32, #tpu.memory_space<vmem>>, vector<16xf32>,
      tpu.vector_store %arg14[%swap3A_151], %broadcast_in_dim3A_148 {strides = array<i32>} : memref<10000xf32, #tpu.memory_space<vmem>>, vector<16xf32>,
      %scan3A_153 = arith.constant 2 : i32
      %scan3A_154 = arith.addi %scan3A_102, %scan3A_153 : i32
      %broadcast_in_dim3A_155 = arith.constant 0.000000e+00 : f32
      %broadcast_in_dim3A_156 = vector.broadcast %broadcast_in_dim3A_155 : f32 to vector<16xf32>
      %mul3A_157 = arith.constant 16 : i32
      %mul3A_158 = arith.muli %scan3A_154, %mul3A_157 : i32
      %swap3A_159 = arith.index_cast %mul3A_158 : i32 to index
      %swap3A_160 = tpu.vector_load %arg11[%swap3A_159] {strides = array<i32>} : memref<10000xf32, #tpu.memory_space<vmem>>, vector<16xf32>,
      tpu.vector_store %arg11[%swap3A_159], %broadcast_in_dim3A_156 {strides = array<i32>} : memref<10000xf32, #tpu.memory_space<vmem>>, vector<16xf32>,
      %broadcast_in_dim3A_161 = arith.constant 0.000000e+00 : f32
      %broadcast_in_dim3A_162 = vector.broadcast %broadcast_in_dim3A_161 : f32 to vector<16xf32>
      %mul3A_163 = arith.constant 16 : i32
      %mul3A_164 = arith.muli %scan3A_154, %mul3A_163 : i32
      %swap3A_165 = arith.index_cast %mul3A_164 : i32 to index
      %swap3A_166 = tpu.vector_load %arg12[%swap3A_165] {strides = array<i32>} : memref<10000xf32, #tpu.memory_space<vmem>>, vector<16xf32>,
      tpu.vector_store %arg12[%swap3A_165], %broadcast_in_dim3A_162 {strides = array<i32>} : memref<10000xf32, #tpu.memory_space<vmem>>, vector<16xf32>,
      %broadcast_in_dim3A_167 = arith.constant 0.000000e+00 : f32
      %broadcast_in_dim3A_168 = vector.broadcast %broadcast_in_dim3A_167 : f32 to vector<16xf32>
      %mul3A_169 = arith.constant 16 : i32
      %mul3A_170 = arith.muli %scan3A_154, %mul3A_169 : i32
      %swap3A_171 = arith.index_cast %mul3A_170 : i32 to index
      %swap3A_172 = tpu.vector_load %arg13[%swap3A_171] {strides = array<i32>} : memref<10000xf32, #tpu.memory_space<vmem>>, vector<16xf32>,
      tpu.vector_store %arg13[%swap3A_171], %broadcast_in_dim3A_168 {strides = array<i32>} : memref<10000xf32, #tpu.memory_space<vmem>>, vector<16xf32>,
      %broadcast_in_dim3A_173 = arith.constant 0.000000e+00 : f32
      %broadcast_in_dim3A_174 = vector.broadcast %broadcast_in_dim3A_173 : f32 to vector<16xf32>
      %mul3A_175 = arith.constant 16 : i32
      %mul3A_176 = arith.muli %scan3A_154, %mul3A_175 : i32
      %swap3A_177 = arith.index_cast %mul3A_176 : i32 to index
      %swap3A_178 = tpu.vector_load %arg14[%swap3A_177] {strides = array<i32>} : memref<10000xf32, #tpu.memory_space<vmem>>, vector<16xf32>,
      tpu.vector_store %arg14[%swap3A_177], %broadcast_in_dim3A_174 {strides = array<i32>} : memref<10000xf32, #tpu.memory_space<vmem>>, vector<16xf32>,
      %scan3A_179 = arith.constant 3 : i32
      %scan3A_180 = arith.addi %scan3A_102, %scan3A_179 : i32
      %broadcast_in_dim3A_181 = arith.constant 0.000000e+00 : f32
      %broadcast_in_dim3A_182 = vector.broadcast %broadcast_in_dim3A_181 : f32 to vector<16xf32>
      %mul3A_183 = arith.constant 16 : i32
      %mul3A_184 = arith.muli %scan3A_180, %mul3A_183 : i32
      %swap3A_185 = arith.index_cast %mul3A_184 : i32 to index
      %swap3A_186 = tpu.vector_load %arg11[%swap3A_185] {strides = array<i32>} : memref<10000xf32, #tpu.memory_space<vmem>>, vector<16xf32>,
      tpu.vector_store %arg11[%swap3A_185], %broadcast_in_dim3A_182 {strides = array<i32>} : memref<10000xf32, #tpu.memory_space<vmem>>, vector<16xf32>,
      %broadcast_in_dim3A_187 = arith.constant 0.000000e+00 : f32
      %broadcast_in_dim3A_188 = vector.broadcast %broadcast_in_dim3A_187 : f32 to vector<16xf32>
      %mul3A_189 = arith.constant 16 : i32
      %mul3A_190 = arith.muli %scan3A_180, %mul3A_189 : i32
      %swap3A_191 = arith.index_cast %mul3A_190 : i32 to index
      %swap3A_192 = tpu.vector_load %arg12[%swap3A_191] {strides = array<i32>} : memref<10000xf32, #tpu.memory_space<vmem>>, vector<16xf32>,
      tpu.vector_store %arg12[%swap3A_191], %broadcast_in_dim3A_188 {strides = array<i32>} : memref<10000xf32, #tpu.memory_space<vmem>>, vector<16xf32>,
      %broadcast_in_dim3A_193 = arith.constant 0.000000e+00 : f32
      %broadcast_in_dim3A_194 = vector.broadcast %broadcast_in_dim3A_193 : f32 to vector<16xf32>
      %mul3A_195 = arith.constant 16 : i32
      %mul3A_196 = arith.muli %scan3A_180, %mul3A_195 : i32
      %swap3A_197 = arith.index_cast %mul3A_196 : i32 to index
      %swap3A_198 = tpu.vector_load %arg13[%swap3A_197] {strides = array<i32>} : memref<10000xf32, #tpu.memory_space<vmem>>, vector<16xf32>,
      tpu.vector_store %arg13[%swap3A_197], %broadcast_in_dim3A_194 {strides = array<i32>} : memref<10000xf32, #tpu.memory_space<vmem>>, vector<16xf32>,
      %broadcast_in_dim3A_199 = arith.constant 0.000000e+00 : f32
      %broadcast_in_dim3A_200 = vector.broadcast %broadcast_in_dim3A_199 : f32 to vector<16xf32>
      %mul3A_201 = arith.constant 16 : i32
      %mul3A_202 = arith.muli %scan3A_180, %mul3A_201 : i32
      %swap3A_203 = arith.index_cast %mul3A_202 : i32 to index
      %swap3A_204 = tpu.vector_load %arg14[%swap3A_203] {strides = array<i32>} : memref<10000xf32, #tpu.memory_space<vmem>>, vector<16xf32>,
      tpu.vector_store %arg14[%swap3A_203], %broadcast_in_dim3A_200 {strides = array<i32>} : memref<10000xf32, #tpu.memory_space<vmem>>, vector<16xf32>,
      %scan3A_205 = arith.constant 4 : i32
      %scan3A_206 = arith.addi %scan3A_102, %scan3A_205 : i32
      %broadcast_in_dim3A_207 = arith.constant 0.000000e+00 : f32
      %broadcast_in_dim3A_208 = vector.broadcast %broadcast_in_dim3A_207 : f32 to vector<16xf32>
      %mul3A_209 = arith.constant 16 : i32
      %mul3A_210 = arith.muli %scan3A_206, %mul3A_209 : i32
      %swap3A_211 = arith.index_cast %mul3A_210 : i32 to index
      %swap3A_212 = tpu.vector_load %arg11[%swap3A_211] {strides = array<i32>} : memref<10000xf32, #tpu.memory_space<vmem>>, vector<16xf32>,
      tpu.vector_store %arg11[%swap3A_211], %broadcast_in_dim3A_208 {strides = array<i32>} : memref<10000xf32, #tpu.memory_space<vmem>>, vector<16xf32>,
      %broadcast_in_dim3A_213 = arith.constant 0.000000e+00 : f32
      %broadcast_in_dim3A_214 = vector.broadcast %broadcast_in_dim3A_213 : f32 to vector<16xf32>
      %mul3A_215 = arith.constant 16 : i32
      %mul3A_216 = arith.muli %scan3A_206, %mul3A_215 : i32
      %swap3A_217 = arith.index_cast %mul3A_216 : i32 to index
      %swap3A_218 = tpu.vector_load %arg12[%swap3A_217] {strides = array<i32>} : memref<10000xf32, #tpu.memory_space<vmem>>, vector<16xf32>,
      tpu.vector_store %arg12[%swap3A_217], %broadcast_in_dim3A_214 {strides = array<i32>} : memref<10000xf32, #tpu.memory_space<vmem>>, vector<16xf32>,
      %broadcast_in_dim3A_219 = arith.constant 0.000000e+00 : f32
      %broadcast_in_dim3A_220 = vector.broadcast %broadcast_in_dim3A_219 : f32 to vector<16xf32>
      %mul3A_221 = arith.constant 16 : i32
      %mul3A_222 = arith.muli %scan3A_206, %mul3A_221 : i32
      %swap3A_223 = arith.index_cast %mul3A_222 : i32 to index
      %swap3A_224 = tpu.vector_load %arg13[%swap3A_223] {strides = array<i32>} : memref<10000xf32, #tpu.memory_space<vmem>>, vector<16xf32>,
      tpu.vector_store %arg13[%swap3A_223], %broadcast_in_dim3A_220 {strides = array<i32>} : memref<10000xf32, #tpu.memory_space<vmem>>, vector<16xf32>,
      %broadcast_in_dim3A_225 = arith.constant 0.000000e+00 : f32
      %broadcast_in_dim3A_226 = vector.broadcast %broadcast_in_dim3A_225 : f32 to vector<16xf32>
      %mul3A_227 = arith.constant 16 : i32
      %mul3A_228 = arith.muli %scan3A_206, %mul3A_227 : i32
      %swap3A_229 = arith.index_cast %mul3A_228 : i32 to index
      %swap3A_230 = tpu.vector_load %arg14[%swap3A_229] {strides = array<i32>} : memref<10000xf32, #tpu.memory_space<vmem>>, vector<16xf32>,
      tpu.vector_store %arg14[%swap3A_229], %broadcast_in_dim3A_226 {strides = array<i32>} : memref<10000xf32, #tpu.memory_space<vmem>>, vector<16xf32>,
      %scan3A_231 = arith.constant 5 : i32
      %scan3A_232 = arith.addi %scan3A_102, %scan3A_231 : i32
      %broadcast_in_dim3A_233 = arith.constant 0.000000e+00 : f32
      %broadcast_in_dim3A_234 = vector.broadcast %broadcast_in_dim3A_233 : f32 to vector<16xf32>
      %mul3A_235 = arith.constant 16 : i32
      %mul3A_236 = arith.muli %scan3A_232, %mul3A_235 : i32
      %swap3A_237 = arith.index_cast %mul3A_236 : i32 to index
      %swap3A_238 = tpu.vector_load %arg11[%swap3A_237] {strides = array<i32>} : memref<10000xf32, #tpu.memory_space<vmem>>, vector<16xf32>,
      tpu.vector_store %arg11[%swap3A_237], %broadcast_in_dim3A_234 {strides = array<i32>} : memref<10000xf32, #tpu.memory_space<vmem>>, vector<16xf32>,
      %broadcast_in_dim3A_239 = arith.constant 0.000000e+00 : f32
      %broadcast_in_dim3A_240 = vector.broadcast %broadcast_in_dim3A_239 : f32 to vector<16xf32>
      %mul3A_241 = arith.constant 16 : i32
      %mul3A_242 = arith.muli %scan3A_232, %mul3A_241 : i32
      %swap3A_243 = arith.index_cast %mul3A_242 : i32 to index
      %swap3A_244 = tpu.vector_load %arg12[%swap3A_243] {strides = array<i32>} : memref<10000xf32, #tpu.memory_space<vmem>>, vector<16xf32>,
      tpu.vector_store %arg12[%swap3A_243], %broadcast_in_dim3A_240 {strides = array<i32>} : memref<10000xf32, #tpu.memory_space<vmem>>, vector<16xf32>,
      %broadcast_in_dim3A_245 = arith.constant 0.000000e+00 : f32
      %broadcast_in_dim3A_246 = vector.broadcast %broadcast_in_dim3A_245 : f32 to vector<16xf32>
      %mul3A_247 = arith.constant 16 : i32
      %mul3A_248 = arith.muli %scan3A_232, %mul3A_247 : i32
      %swap3A_249 = arith.index_cast %mul3A_248 : i32 to index
      %swap3A_250 = tpu.vector_load %arg13[%swap3A_249] {strides = array<i32>} : memref<10000xf32, #tpu.memory_space<vmem>>, vector<16xf32>,
      tpu.vector_store %arg13[%swap3A_249], %broadcast_in_dim3A_246 {strides = array<i32>} : memref<10000xf32, #tpu.memory_space<vmem>>, vector<16xf32>,
      %broadcast_in_dim3A_251 = arith.constant 0.000000e+00 : f32
      %broadcast_in_dim3A_252 = vector.broadcast %broadcast_in_dim3A_251 : f32 to vector<16xf32>
      %mul3A_253 = arith.constant 16 : i32
      %mul3A_254 = arith.muli %scan3A_232, %mul3A_253 : i32
      %swap3A_255 = arith.index_cast %mul3A_254 : i32 to index
      %swap3A_256 = tpu.vector_load %arg14[%swap3A_255] {strides = array<i32>} : memref<10000xf32, #tpu.memory_space<vmem>>, vector<16xf32>,
      tpu.vector_store %arg14[%swap3A_255], %broadcast_in_dim3A_252 {strides = array<i32>} : memref<10000xf32, #tpu.memory_space<vmem>>, vector<16xf32>,
      %scan3A_257 = arith.constant 6 : i32
      %scan3A_258 = arith.addi %scan3A_102, %scan3A_257 : i32
      %broadcast_in_dim3A_259 = arith.constant 0.000000e+00 : f32
      %broadcast_in_dim3A_260 = vector.broadcast %broadcast_in_dim3A_259 : f32 to vector<16xf32>
      %mul3A_261 = arith.constant 16 : i32
      %mul3A_262 = arith.muli %scan3A_258, %mul3A_261 : i32
      %swap3A_263 = arith.index_cast %mul3A_262 : i32 to index
      %swap3A_264 = tpu.vector_load %arg11[%swap3A_263] {strides = array<i32>} : memref<10000xf32, #tpu.memory_space<vmem>>, vector<16xf32>,
      tpu.vector_store %arg11[%swap3A_263], %broadcast_in_dim3A_260 {strides = array<i32>} : memref<10000xf32, #tpu.memory_space<vmem>>, vector<16xf32>,
      %broadcast_in_dim3A_265 = arith.constant 0.000000e+00 : f32
      %broadcast_in_dim3A_266 = vector.broadcast %broadcast_in_dim3A_265 : f32 to vector<16xf32>
      %mul3A_267 = arith.constant 16 : i32
      %mul3A_268 = arith.muli %scan3A_258, %mul3A_267 : i32
      %swap3A_269 = arith.index_cast %mul3A_268 : i32 to index
      %swap3A_270 = tpu.vector_load %arg12[%swap3A_269] {strides = array<i32>} : memref<10000xf32, #tpu.memory_space<vmem>>, vector<16xf32>,
      tpu.vector_store %arg12[%swap3A_269], %broadcast_in_dim3A_266 {strides = array<i32>} : memref<10000xf32, #tpu.memory_space<vmem>>, vector<16xf32>,
      %broadcast_in_dim3A_271 = arith.constant 0.000000e+00 : f32
      %broadcast_in_dim3A_272 = vector.broadcast %broadcast_in_dim3A_271 : f32 to vector<16xf32>
      %mul3A_273 = arith.constant 16 : i32
      %mul3A_274 = arith.muli %scan3A_258, %mul3A_273 : i32
      %swap3A_275 = arith.index_cast %mul3A_274 : i32 to index
      %swap3A_276 = tpu.vector_load %arg13[%swap3A_275] {strides = array<i32>} : memref<10000xf32, #tpu.memory_space<vmem>>, vector<16xf32>,
      tpu.vector_store %arg13[%swap3A_275], %broadcast_in_dim3A_272 {strides = array<i32>} : memref<10000xf32, #tpu.memory_space<vmem>>, vector<16xf32>,
      %broadcast_in_dim3A_277 = arith.constant 0.000000e+00 : f32
      %broadcast_in_dim3A_278 = vector.broadcast %broadcast_in_dim3A_277 : f32 to vector<16xf32>
      %mul3A_279 = arith.constant 16 : i32
      %mul3A_280 = arith.muli %scan3A_258, %mul3A_279 : i32
      %swap3A_281 = arith.index_cast %mul3A_280 : i32 to index
      %swap3A_282 = tpu.vector_load %arg14[%swap3A_281] {strides = array<i32>} : memref<10000xf32, #tpu.memory_space<vmem>>, vector<16xf32>,
      tpu.vector_store %arg14[%swap3A_281], %broadcast_in_dim3A_278 {strides = array<i32>} : memref<10000xf32, #tpu.memory_space<vmem>>, vector<16xf32>,
      %scan3A_283 = arith.constant 7 : i32
      %scan3A_284 = arith.addi %scan3A_102, %scan3A_283 : i32
      %broadcast_in_dim3A_285 = arith.constant 0.000000e+00 : f32
      %broadcast_in_dim3A_286 = vector.broadcast %broadcast_in_dim3A_285 : f32 to vector<16xf32>
      %mul3A_287 = arith.constant 16 : i32
      %mul3A_288 = arith.muli %scan3A_284, %mul3A_287 : i32
      %swap3A_289 = arith.index_cast %mul3A_288 : i32 to index
      %swap3A_290 = tpu.vector_load %arg11[%swap3A_289] {strides = array<i32>} : memref<10000xf32, #tpu.memory_space<vmem>>, vector<16xf32>,
      tpu.vector_store %arg11[%swap3A_289], %broadcast_in_dim3A_286 {strides = array<i32>} : memref<10000xf32, #tpu.memory_space<vmem>>, vector<16xf32>,
      %broadcast_in_dim3A_291 = arith.constant 0.000000e+00 : f32
      %broadcast_in_dim3A_292 = vector.broadcast %broadcast_in_dim3A_291 : f32 to vector<16xf32>
      %mul3A_293 = arith.constant 16 : i32
      %mul3A_294 = arith.muli %scan3A_284, %mul3A_293 : i32
      %swap3A_295 = arith.index_cast %mul3A_294 : i32 to index
      %swap3A_296 = tpu.vector_load %arg12[%swap3A_295] {strides = array<i32>} : memref<10000xf32, #tpu.memory_space<vmem>>, vector<16xf32>,
      tpu.vector_store %arg12[%swap3A_295], %broadcast_in_dim3A_292 {strides = array<i32>} : memref<10000xf32, #tpu.memory_space<vmem>>, vector<16xf32>,
      %broadcast_in_dim3A_297 = arith.constant 0.000000e+00 : f32
      %broadcast_in_dim3A_298 = vector.broadcast %broadcast_in_dim3A_297 : f32 to vector<16xf32>
      %mul3A_299 = arith.constant 16 : i32
      %mul3A_300 = arith.muli %scan3A_284, %mul3A_299 : i32
      %swap3A_301 = arith.index_cast %mul3A_300 : i32 to index
      %swap3A_302 = tpu.vector_load %arg13[%swap3A_301] {strides = array<i32>} : memref<10000xf32, #tpu.memory_space<vmem>>, vector<16xf32>,
      tpu.vector_store %arg13[%swap3A_301], %broadcast_in_dim3A_298 {strides = array<i32>} : memref<10000xf32, #tpu.memory_space<vmem>>, vector<16xf32>,
      %broadcast_in_dim3A_303 = arith.constant 0.000000e+00 : f32
      %broadcast_in_dim3A_304 = vector.broadcast %broadcast_in_dim3A_303 : f32 to vector<16xf32>
      %mul3A_305 = arith.constant 16 : i32
      %mul3A_306 = arith.muli %scan3A_284, %mul3A_305 : i32
      %swap3A_307 = arith.index_cast %mul3A_306 : i32 to index
      %swap3A_308 = tpu.vector_load %arg14[%swap3A_307] {strides = array<i32>} : memref<10000xf32, #tpu.memory_space<vmem>>, vector<16xf32>,
      tpu.vector_store %arg14[%swap3A_307], %broadcast_in_dim3A_304 {strides = array<i32>} : memref<10000xf32, #tpu.memory_space<vmem>>, vector<16xf32>,
    }
    %scan3A_32 = arith.constant 624 : i32
    %scan3A_33 = arith.addi %scan3A_28, %scan3A_32 : i32
    %broadcast_in_dim3A = arith.constant 0.000000e+00 : f32
    %broadcast_in_dim3A_34 = vector.broadcast %broadcast_in_dim3A : f32 to vector<16xf32>
    %mul3A_35 = arith.constant 16 : i32
    %mul3A_36 = arith.muli %scan3A_33, %mul3A_35 : i32
    %swap3A = arith.index_cast %mul3A_36 : i32 to index
    %swap3A_37 = tpu.vector_load %arg11[%swap3A] {strides = array<i32>} : memref<10000xf32, #tpu.memory_space<vmem>>, vector<16xf32>,
    tpu.vector_store %arg11[%swap3A], %broadcast_in_dim3A_34 {strides = array<i32>} : memref<10000xf32, #tpu.memory_space<vmem>>, vector<16xf32>,
    %broadcast_in_dim3A_38 = arith.constant 0.000000e+00 : f32
    %broadcast_in_dim3A_39 = vector.broadcast %broadcast_in_dim3A_38 : f32 to vector<16xf32>
    %mul3A_40 = arith.constant 16 : i32
    %mul3A_41 = arith.muli %scan3A_33, %mul3A_40 : i32
    %swap3A_42 = arith.index_cast %mul3A_41 : i32 to index
    %swap3A_43 = tpu.vector_load %arg12[%swap3A_42] {strides = array<i32>} : memref<10000xf32, #tpu.memory_space<vmem>>, vector<16xf32>,
    tpu.vector_store %arg12[%swap3A_42], %broadcast_in_dim3A_39 {strides = array<i32>} : memref<10000xf32, #tpu.memory_space<vmem>>, vector<16xf32>,
    %broadcast_in_dim3A_44 = arith.constant 0.000000e+00 : f32
    %broadcast_in_dim3A_45 = vector.broadcast %broadcast_in_dim3A_44 : f32 to vector<16xf32>
    %mul3A_46 = arith.constant 16 : i32
    %mul3A_47 = arith.muli %scan3A_33, %mul3A_46 : i32
    %swap3A_48 = arith.index_cast %mul3A_47 : i32 to index
    %swap3A_49 = tpu.vector_load %arg13[%swap3A_48] {strides = array<i32>} : memref<10000xf32, #tpu.memory_space<vmem>>, vector<16xf32>,
    tpu.vector_store %arg13[%swap3A_48], %broadcast_in_dim3A_45 {strides = array<i32>} : memref<10000xf32, #tpu.memory_space<vmem>>, vector<16xf32>,
    %broadcast_in_dim3A_50 = arith.constant 0.000000e+00 : f32
    %broadcast_in_dim3A_51 = vector.broadcast %broadcast_in_dim3A_50 : f32 to vector<16xf32>
    %mul3A_52 = arith.constant 16 : i32
    %mul3A_53 = arith.muli %scan3A_33, %mul3A_52 : i32
    %swap3A_54 = arith.index_cast %mul3A_53 : i32 to index
    %swap3A_55 = tpu.vector_load %arg14[%swap3A_54] {strides = array<i32>} : memref<10000xf32, #tpu.memory_space<vmem>>, vector<16xf32>,
    tpu.vector_store %arg14[%swap3A_54], %broadcast_in_dim3A_51 {strides = array<i32>} : memref<10000xf32, #tpu.memory_space<vmem>>, vector<16xf32>,
    %scan3A_56 = arith.constant 625 : i32
    %dma_wait3A = arith.constant 0 : i32
    %dma_wait3A_57 = arith.constant 0 : i32
    %dma_wait3A_58 = tpu.memref_slice %arg2[%add3A, %dma_wait3A, %dma_wait3A_57] : memref<32x2x10000xi32, #tpu.memory_space<hbm>> -> memref<1x1x10000xi32, #tpu.memory_space<hbm>>
    %dma_wait3A_59 = tpu.memref_squeeze %dma_wait3A_58 : memref<1x1x10000xi32, #tpu.memory_space<hbm>> -> memref<10000xi32, #tpu.memory_space<hbm>>
    %dma_wait3A_60 = arith.constant 0 : i32
    %dma_wait3A_61 = tpu.memref_slice %arg2[%add3A, %dma_wait3A, %dma_wait3A_60] : memref<32x2x10000xi32, #tpu.memory_space<hbm>> -> memref<1x1x10000xi32, #tpu.memory_space<hbm>>
    %dma_wait3A_62 = tpu.memref_squeeze %dma_wait3A_61 : memref<1x1x10000xi32, #tpu.memory_space<hbm>> -> memref<10000xi32, #tpu.memory_space<hbm>>
    tpu.wait_dma2 semaphore(%arg19 : memref<!tpu.dma_semaphore, #tpu.memory_space<semaphore_mem>>) src(%dma_wait3A_62 : memref<10000xi32, #tpu.memory_space<hbm>>) dst(%arg7 : memref<10000xi32, #tpu.memory_space<vmem>>)
    %dma_wait3A_63 = arith.constant 0 : i32
    %dma_wait3A_64 = arith.constant 0 : i32
    %dma_wait3A_65 = tpu.memref_slice %arg3[%add3A, %dma_wait3A_63, %dma_wait3A_64] : memref<32x2x200xi32, #tpu.memory_space<hbm>> -> memref<1x1x200xi32, #tpu.memory_space<hbm>>
    %dma_wait3A_66 = tpu.memref_squeeze %dma_wait3A_65 : memref<1x1x200xi32, #tpu.memory_space<hbm>> -> memref<200xi32, #tpu.memory_space<hbm>>
    %dma_wait3A_67 = arith.constant 0 : i32
    %dma_wait3A_68 = tpu.memref_slice %arg3[%add3A, %dma_wait3A_63, %dma_wait3A_67] : memref<32x2x200xi32, #tpu.memory_space<hbm>> -> memref<1x1x200xi32, #tpu.memory_space<hbm>>
    %dma_wait3A_69 = tpu.memref_squeeze %dma_wait3A_68 : memref<1x1x200xi32, #tpu.memory_space<hbm>> -> memref<200xi32, #tpu.memory_space<hbm>>
    tpu.wait_dma2 semaphore(%arg19 : memref<!tpu.dma_semaphore, #tpu.memory_space<semaphore_mem>>) src(%dma_wait3A_69 : memref<200xi32, #tpu.memory_space<hbm>>) dst(%arg9 : memref<200xi32, #tpu.memory_space<vmem>>)
    %dma_wait3A_70 = arith.constant 1 : i32
    %dma_wait3A_71 = arith.constant 0 : i32
    %dma_wait3A_72 = tpu.memref_slice %arg2[%add3A, %dma_wait3A_70, %dma_wait3A_71] : memref<32x2x10000xi32, #tpu.memory_space<hbm>> -> memref<1x1x10000xi32, #tpu.memory_space<hbm>>
    %dma_wait3A_73 = tpu.memref_squeeze %dma_wait3A_72 : memref<1x1x10000xi32, #tpu.memory_space<hbm>> -> memref<10000xi32, #tpu.memory_space<hbm>>
    %dma_wait3A_74 = arith.constant 0 : i32
    %dma_wait3A_75 = tpu.memref_slice %arg2[%add3A, %dma_wait3A_70, %dma_wait3A_74] : memref<32x2x10000xi32, #tpu.memory_space<hbm>> -> memref<1x1x10000xi32, #tpu.memory_space<hbm>>
    %dma_wait3A_76 = tpu.memref_squeeze %dma_wait3A_75 : memref<1x1x10000xi32, #tpu.memory_space<hbm>> -> memref<10000xi32, #tpu.memory_space<hbm>>
    tpu.wait_dma2 semaphore(%arg19 : memref<!tpu.dma_semaphore, #tpu.memory_space<semaphore_mem>>) src(%dma_wait3A_76 : memref<10000xi32, #tpu.memory_space<hbm>>) dst(%arg8 : memref<10000xi32, #tpu.memory_space<vmem>>)
    %dma_wait3A_77 = arith.constant 1 : i32
    %dma_wait3A_78 = arith.constant 0 : i32
    %dma_wait3A_79 = tpu.memref_slice %arg3[%add3A, %dma_wait3A_77, %dma_wait3A_78] : memref<32x2x200xi32, #tpu.memory_space<hbm>> -> memref<1x1x200xi32, #tpu.memory_space<hbm>>
    %dma_wait3A_80 = tpu.memref_squeeze %dma_wait3A_79 : memref<1x1x200xi32, #tpu.memory_space<hbm>> -> memref<200xi32, #tpu.memory_space<hbm>>
    %dma_wait3A_81 = arith.constant 0 : i32
    %dma_wait3A_82 = tpu.memref_slice %arg3[%add3A, %dma_wait3A_77, %dma_wait3A_81] : memref<32x2x200xi32, #tpu.memory_space<hbm>> -> memref<1x1x200xi32, #tpu.memory_space<hbm>>
    %dma_wait3A_83 = tpu.memref_squeeze %dma_wait3A_82 : memref<1x1x200xi32, #tpu.memory_space<hbm>> -> memref<200xi32, #tpu.memory_space<hbm>>
    tpu.wait_dma2 semaphore(%arg19 : memref<!tpu.dma_semaphore, #tpu.memory_space<semaphore_mem>>) src(%dma_wait3A_83 : memref<200xi32, #tpu.memory_space<hbm>>) dst(%arg10 : memref<200xi32, #tpu.memory_space<vmem>>)
    %dma_start3A_84 = arith.constant 0 : i32
    %dma_start3A_85 = tpu.memref_slice %arg4[%dma_start3A_84] : memref<320000xi32, #tpu.memory_space<hbm>> -> memref<4000xi32, #tpu.memory_space<hbm>>
    %dma_start3A_86 = arith.constant 0 : i32
    %dma_start3A_87 = tpu.memref_slice %arg4[%dma_start3A_86] : memref<320000xi32, #tpu.memory_space<hbm>> -> memref<4000xi32, #tpu.memory_space<hbm>>
    tpu.enqueue_dma source(%dma_start3A_87 : memref<4000xi32, #tpu.memory_space<hbm>>) target(%arg15 : memref<4000xi32, #tpu.memory_space<vmem>>) target_semaphore(%arg20 : memref<!tpu.dma_semaphore, #tpu.memory_space<semaphore_mem>>)
    %dma_start3A_88 = arith.constant 0 : i32
    %dma_start3A_89 = tpu.memref_slice %arg5[%dma_start3A_88] : memref<320000xi32, #tpu.memory_space<hbm>> -> memref<4000xi32, #tpu.memory_space<hbm>>
    %dma_start3A_90 = arith.constant 0 : i32
    %dma_start3A_91 = tpu.memref_slice %arg5[%dma_start3A_90] : memref<320000xi32, #tpu.memory_space<hbm>> -> memref<4000xi32, #tpu.memory_space<hbm>>
    tpu.enqueue_dma source(%dma_start3A_91 : memref<4000xi32, #tpu.memory_space<hbm>>) target(%arg17 : memref<4000xi32, #tpu.memory_space<vmem>>) target_semaphore(%arg20 : memref<!tpu.dma_semaphore, #tpu.memory_space<semaphore_mem>>)
    %scan3A_92 = arith.constant 0 : i32
    %scan3A_93 = arith.constant -65536 : i32
    %scan3A_94 = arith.constant 0 : i32
    %scan3A_95 = arith.constant 40 : i32
    %scan3A_96 = arith.addi %scan3A_94, %scan3A_95 : i32
    %scan3A_97 = arith.constant 1 : i32
    scf.for %scan3A_102 = %scan3A_94 to %scan3A_96 step %scan3A_97  : i32 {
      %mul3A_103 = arith.constant 2 : i32
      %mul3A_104 = arith.muli %scan3A_102, %mul3A_103 : i32
      %add3A_105 = arith.constant 0 : i32
      %add3A_106 = arith.addi %mul3A_104, %add3A_105 : i32
      %add3A_107 = arith.constant 1 : i32
      %add3A_108 = arith.addi %add3A_106, %add3A_107 : i32
      %lt3A = arith.constant 80 : i32
      %lt3A_109 = arith.cmpi slt, %add3A_108, %lt3A : i32
      %convert_element_type3A = arith.extui %lt3A_109 : i1 to i32
      %cond3A = arith.constant 0 : i32
      %cond3A_110 = arith.cmpi ne, %convert_element_type3A, %cond3A : i32
      scf.if %cond3A_110 {
        %add3A_323 = arith.constant 1 : i32
        %add3A_324 = arith.addi %add3A_106, %add3A_323 : i32
        %mul3A_325 = arith.constant 4000 : i32
        %mul3A_326 = arith.muli %add3A_324, %mul3A_325 : i32
        %dma_start3A_327 = tpu.memref_slice %arg4[%mul3A_326] : memref<320000xi32, #tpu.memory_space<hbm>> -> memref<4000xi32, #tpu.memory_space<hbm>>
        %dma_start3A_328 = tpu.memref_slice %arg4[%mul3A_326] : memref<320000xi32, #tpu.memory_space<hbm>> -> memref<4000xi32, #tpu.memory_space<hbm>>
        tpu.enqueue_dma source(%dma_start3A_328 : memref<4000xi32, #tpu.memory_space<hbm>>) target(%arg16 : memref<4000xi32, #tpu.memory_space<vmem>>) target_semaphore(%arg21 : memref<!tpu.dma_semaphore, #tpu.memory_space<semaphore_mem>>)
        %dma_start3A_329 = tpu.memref_slice %arg5[%mul3A_326] : memref<320000xi32, #tpu.memory_space<hbm>> -> memref<4000xi32, #tpu.memory_space<hbm>>
        %dma_start3A_330 = tpu.memref_slice %arg5[%mul3A_326] : memref<320000xi32, #tpu.memory_space<hbm>> -> memref<4000xi32, #tpu.memory_space<hbm>>
        tpu.enqueue_dma source(%dma_start3A_330 : memref<4000xi32, #tpu.memory_space<hbm>>) target(%arg18 : memref<4000xi32, #tpu.memory_space<vmem>>) target_semaphore(%arg21 : memref<!tpu.dma_semaphore, #tpu.memory_space<semaphore_mem>>)
      } else {
      }
      %mul3A_111 = arith.constant 4000 : i32
      %mul3A_112 = arith.muli %add3A_106, %mul3A_111 : i32
      %dma_wait3A_113 = tpu.memref_slice %arg4[%mul3A_112] : memref<320000xi32, #tpu.memory_space<hbm>> -> memref<4000xi32, #tpu.memory_space<hbm>>
      %dma_wait3A_114 = tpu.memref_slice %arg4[%mul3A_112] : memref<320000xi32, #tpu.memory_space<hbm>> -> memref<4000xi32, #tpu.memory_space<hbm>>
      tpu.wait_dma2 semaphore(%arg20 : memref<!tpu.dma_semaphore, #tpu.memory_space<semaphore_mem>>) src(%dma_wait3A_114 : memref<4000xi32, #tpu.memory_space<hbm>>) dst(%arg15 : memref<4000xi32, #tpu.memory_space<vmem>>)
      %dma_wait3A_115 = tpu.memref_slice %arg5[%mul3A_112] : memref<320000xi32, #tpu.memory_space<hbm>> -> memref<4000xi32, #tpu.memory_space<hbm>>
      %dma_wait3A_116 = tpu.memref_slice %arg5[%mul3A_112] : memref<320000xi32, #tpu.memory_space<hbm>> -> memref<4000xi32, #tpu.memory_space<hbm>>
      tpu.wait_dma2 semaphore(%arg20 : memref<!tpu.dma_semaphore, #tpu.memory_space<semaphore_mem>>) src(%dma_wait3A_116 : memref<4000xi32, #tpu.memory_space<hbm>>) dst(%arg17 : memref<4000xi32, #tpu.memory_space<vmem>>)
      %get3A = arith.constant 0 : index
      %get3A_117 = tpu.vector_load %arg15[%get3A] {strides = array<i32>} : memref<4000xi32, #tpu.memory_space<vmem>>, vector<16xi32>,
      %get3A_118 = arith.constant 0 : index
      %get3A_119 = tpu.vector_load %arg17[%get3A_118] {strides = array<i32>} : memref<4000xi32, #tpu.memory_space<vmem>>, vector<16xi32>,
      %get3A_120 = arith.constant 16 : index
      %get3A_121 = tpu.vector_load %arg15[%get3A_120] {strides = array<i32>} : memref<4000xi32, #tpu.memory_space<vmem>>, vector<16xi32>,
      %get3A_122 = arith.constant 16 : index
      %get3A_123 = tpu.vector_load %arg17[%get3A_122] {strides = array<i32>} : memref<4000xi32, #tpu.memory_space<vmem>>, vector<16xi32>,
      %shift_right_logical3A = arith.constant 8 : i32
      %shift_right_logical3A_124 = vector.broadcast %shift_right_logical3A : i32 to vector<16xi32>
      %shift_right_logical3A_125 = arith.shrui %get3A_117, %shift_right_logical3A_124 : vector<16xi32>
      %and3A = arith.constant 255 : i32
      %and3A_126 = vector.broadcast %and3A : i32 to vector<16xi32>
      %and3A_127 = arith.andi %get3A_117, %and3A_126 : vector<16xi32>
      %gather3A = tpu.vector_load_idx %arg7[%shift_right_logical3A_125] : memref<10000xi32, #tpu.memory_space<vmem>>[vector<16xi32>], vector<16xi32>,
      %gather3A_128 = tpu.vector_load_idx %arg8[%shift_right_logical3A_125] : memref<10000xi32, #tpu.memory_space<vmem>>[vector<16xi32>], vector<16xi32>,
      %gather3A_129 = tpu.vector_load_idx %arg9[%and3A_127] : memref<200xi32, #tpu.memory_space<vmem>>[vector<16xi32>], vector<16xi32>,
      %gather3A_130 = tpu.vector_load_idx %arg10[%and3A_127] : memref<200xi32, #tpu.memory_space<vmem>>[vector<16xi32>], vector<16xi32>,
      %scan3A_131 = arith.constant 0 : i32
      %scan3A_132 = arith.constant 248 : i32
      %scan3A_133 = arith.addi %scan3A_131, %scan3A_132 : i32
      %scan3A_134 = arith.constant 8 : i32
      %scan3A_135:7 = scf.for %scan3A_323 = %scan3A_131 to %scan3A_133 step %scan3A_134 iter_args(%scan3A_324 = %get3A_121, %scan3A_325 = %get3A_123, %scan3A_326 = %gather3A, %scan3A_327 = %gather3A_128, %scan3A_328 = %gather3A_129, %scan3A_329 = %gather3A_130, %scan3A_330 = %get3A_119) -> (vector<16xi32>, vector<16xi32>, vector<16xi32>, vector<16xi32>, vector<16xi32>, vector<16xi32>, vector<16xi32>)  : i32 {
        %add3A_331 = arith.constant 2 : i32
        %add3A_332 = arith.addi %scan3A_323, %add3A_331 : i32
        %mul3A_333 = arith.constant 16 : i32
        %mul3A_334 = arith.muli %add3A_332, %mul3A_333 : i32
        %get3A_335 = arith.index_cast %mul3A_334 : i32 to index
        %get3A_336 = tpu.vector_load %arg15[%get3A_335] {strides = array<i32>} : memref<4000xi32, #tpu.memory_space<vmem>>, vector<16xi32>,
        %get3A_337 = arith.index_cast %mul3A_334 : i32 to index
        %get3A_338 = tpu.vector_load %arg17[%get3A_337] {strides = array<i32>} : memref<4000xi32, #tpu.memory_space<vmem>>, vector<16xi32>,
        %shift_right_logical3A_339 = arith.constant 8 : i32
        %shift_right_logical3A_340 = vector.broadcast %shift_right_logical3A_339 : i32 to vector<16xi32>
        %shift_right_logical3A_341 = arith.shrui %scan3A_324, %shift_right_logical3A_340 : vector<16xi32>
        %and3A_342 = arith.constant 255 : i32
        %and3A_343 = vector.broadcast %and3A_342 : i32 to vector<16xi32>
        %and3A_344 = arith.andi %scan3A_324, %and3A_343 : vector<16xi32>
        %gather3A_345 = tpu.vector_load_idx %arg7[%shift_right_logical3A_341] : memref<10000xi32, #tpu.memory_space<vmem>>[vector<16xi32>], vector<16xi32>,
        %gather3A_346 = tpu.vector_load_idx %arg8[%shift_right_logical3A_341] : memref<10000xi32, #tpu.memory_space<vmem>>[vector<16xi32>], vector<16xi32>,
        %gather3A_347 = tpu.vector_load_idx %arg9[%and3A_344] : memref<200xi32, #tpu.memory_space<vmem>>[vector<16xi32>], vector<16xi32>,
        %gather3A_348 = tpu.vector_load_idx %arg10[%and3A_344] : memref<200xi32, #tpu.memory_space<vmem>>[vector<16xi32>], vector<16xi32>,
        %shift_left3A_349 = arith.constant 16 : i32
        %shift_left3A_350 = vector.broadcast %shift_left3A_349 : i32 to vector<16xi32>
        %shift_left3A_351 = arith.shli %scan3A_326, %shift_left3A_350 : vector<16xi32>
        %bitcast3A_352 = vector.bitcast %shift_left3A_351 : vector<16xi32> to vector<16xf32>
        %and3A_353 = vector.broadcast %scan3A_93 : i32 to vector<16xi32>
        %and3A_354 = arith.andi %scan3A_326, %and3A_353 : vector<16xi32>
        %bitcast3A_355 = vector.bitcast %and3A_354 : vector<16xi32> to vector<16xf32>
        %shift_left3A_356 = arith.constant 16 : i32
        %shift_left3A_357 = vector.broadcast %shift_left3A_356 : i32 to vector<16xi32>
        %shift_left3A_358 = arith.shli %scan3A_328, %shift_left3A_357 : vector<16xi32>
        %bitcast3A_359 = vector.bitcast %shift_left3A_358 : vector<16xi32> to vector<16xf32>
        %and3A_360 = vector.broadcast %scan3A_93 : i32 to vector<16xi32>
        %and3A_361 = arith.andi %scan3A_328, %and3A_360 : vector<16xi32>
        %bitcast3A_362 = vector.bitcast %and3A_361 : vector<16xi32> to vector<16xf32>
        %sub3A_363 = arith.subf %bitcast3A_352, %bitcast3A_359 : vector<16xf32>
        tpu.vector_store_idx %arg11[%scan3A_330], %sub3A_363 {add = true} : memref<10000xf32, #tpu.memory_space<vmem>>[vector<16xi32>], vector<16xf32>,
        %sub3A_364 = arith.subf %bitcast3A_355, %bitcast3A_362 : vector<16xf32>
        tpu.vector_store_idx %arg12[%scan3A_330], %sub3A_364 {add = true} : memref<10000xf32, #tpu.memory_space<vmem>>[vector<16xi32>], vector<16xf32>,
        %shift_left3A_365 = arith.constant 16 : i32
        %shift_left3A_366 = vector.broadcast %shift_left3A_365 : i32 to vector<16xi32>
        %shift_left3A_367 = arith.shli %scan3A_327, %shift_left3A_366 : vector<16xi32>
        %bitcast3A_368 = vector.bitcast %shift_left3A_367 : vector<16xi32> to vector<16xf32>
        %and3A_369 = vector.broadcast %scan3A_93 : i32 to vector<16xi32>
        %and3A_370 = arith.andi %scan3A_327, %and3A_369 : vector<16xi32>
        %bitcast3A_371 = vector.bitcast %and3A_370 : vector<16xi32> to vector<16xf32>
        %shift_left3A_372 = arith.constant 16 : i32
        %shift_left3A_373 = vector.broadcast %shift_left3A_372 : i32 to vector<16xi32>
        %shift_left3A_374 = arith.shli %scan3A_329, %shift_left3A_373 : vector<16xi32>
        %bitcast3A_375 = vector.bitcast %shift_left3A_374 : vector<16xi32> to vector<16xf32>
        %and3A_376 = vector.broadcast %scan3A_93 : i32 to vector<16xi32>
        %and3A_377 = arith.andi %scan3A_329, %and3A_376 : vector<16xi32>
        %bitcast3A_378 = vector.bitcast %and3A_377 : vector<16xi32> to vector<16xf32>
        %sub3A_379 = arith.subf %bitcast3A_368, %bitcast3A_375 : vector<16xf32>
        tpu.vector_store_idx %arg13[%scan3A_330], %sub3A_379 {add = true} : memref<10000xf32, #tpu.memory_space<vmem>>[vector<16xi32>], vector<16xf32>,
        %sub3A_380 = arith.subf %bitcast3A_371, %bitcast3A_378 : vector<16xf32>
        tpu.vector_store_idx %arg14[%scan3A_330], %sub3A_380 {add = true} : memref<10000xf32, #tpu.memory_space<vmem>>[vector<16xi32>], vector<16xf32>,
        %scan3A_381 = arith.constant 1 : i32
        %scan3A_382 = arith.addi %scan3A_323, %scan3A_381 : i32
        %add3A_383 = arith.constant 2 : i32
        %add3A_384 = arith.addi %scan3A_382, %add3A_383 : i32
        %mul3A_385 = arith.constant 16 : i32
        %mul3A_386 = arith.muli %add3A_384, %mul3A_385 : i32
        %get3A_387 = arith.index_cast %mul3A_386 : i32 to index
        %get3A_388 = tpu.vector_load %arg15[%get3A_387] {strides = array<i32>} : memref<4000xi32, #tpu.memory_space<vmem>>, vector<16xi32>,
        %get3A_389 = arith.index_cast %mul3A_386 : i32 to index
        %get3A_390 = tpu.vector_load %arg17[%get3A_389] {strides = array<i32>} : memref<4000xi32, #tpu.memory_space<vmem>>, vector<16xi32>,
        %shift_right_logical3A_391 = arith.constant 8 : i32
        %shift_right_logical3A_392 = vector.broadcast %shift_right_logical3A_391 : i32 to vector<16xi32>
        %shift_right_logical3A_393 = arith.shrui %get3A_336, %shift_right_logical3A_392 : vector<16xi32>
        %and3A_394 = arith.constant 255 : i32
        %and3A_395 = vector.broadcast %and3A_394 : i32 to vector<16xi32>
        %and3A_396 = arith.andi %get3A_336, %and3A_395 : vector<16xi32>
        %gather3A_397 = tpu.vector_load_idx %arg7[%shift_right_logical3A_393] : memref<10000xi32, #tpu.memory_space<vmem>>[vector<16xi32>], vector<16xi32>,
        %gather3A_398 = tpu.vector_load_idx %arg8[%shift_right_logical3A_393] : memref<10000xi32, #tpu.memory_space<vmem>>[vector<16xi32>], vector<16xi32>,
        %gather3A_399 = tpu.vector_load_idx %arg9[%and3A_396] : memref<200xi32, #tpu.memory_space<vmem>>[vector<16xi32>], vector<16xi32>,
        %gather3A_400 = tpu.vector_load_idx %arg10[%and3A_396] : memref<200xi32, #tpu.memory_space<vmem>>[vector<16xi32>], vector<16xi32>,
        %shift_left3A_401 = arith.constant 16 : i32
        %shift_left3A_402 = vector.broadcast %shift_left3A_401 : i32 to vector<16xi32>
        %shift_left3A_403 = arith.shli %gather3A_345, %shift_left3A_402 : vector<16xi32>
        %bitcast3A_404 = vector.bitcast %shift_left3A_403 : vector<16xi32> to vector<16xf32>
        %and3A_405 = vector.broadcast %scan3A_93 : i32 to vector<16xi32>
        %and3A_406 = arith.andi %gather3A_345, %and3A_405 : vector<16xi32>
        %bitcast3A_407 = vector.bitcast %and3A_406 : vector<16xi32> to vector<16xf32>
        %shift_left3A_408 = arith.constant 16 : i32
        %shift_left3A_409 = vector.broadcast %shift_left3A_408 : i32 to vector<16xi32>
        %shift_left3A_410 = arith.shli %gather3A_347, %shift_left3A_409 : vector<16xi32>
        %bitcast3A_411 = vector.bitcast %shift_left3A_410 : vector<16xi32> to vector<16xf32>
        %and3A_412 = vector.broadcast %scan3A_93 : i32 to vector<16xi32>
        %and3A_413 = arith.andi %gather3A_347, %and3A_412 : vector<16xi32>
        %bitcast3A_414 = vector.bitcast %and3A_413 : vector<16xi32> to vector<16xf32>
        %sub3A_415 = arith.subf %bitcast3A_404, %bitcast3A_411 : vector<16xf32>
        tpu.vector_store_idx %arg11[%scan3A_325], %sub3A_415 {add = true} : memref<10000xf32, #tpu.memory_space<vmem>>[vector<16xi32>], vector<16xf32>,
        %sub3A_416 = arith.subf %bitcast3A_407, %bitcast3A_414 : vector<16xf32>
        tpu.vector_store_idx %arg12[%scan3A_325], %sub3A_416 {add = true} : memref<10000xf32, #tpu.memory_space<vmem>>[vector<16xi32>], vector<16xf32>,
        %shift_left3A_417 = arith.constant 16 : i32
        %shift_left3A_418 = vector.broadcast %shift_left3A_417 : i32 to vector<16xi32>
        %shift_left3A_419 = arith.shli %gather3A_346, %shift_left3A_418 : vector<16xi32>
        %bitcast3A_420 = vector.bitcast %shift_left3A_419 : vector<16xi32> to vector<16xf32>
        %and3A_421 = vector.broadcast %scan3A_93 : i32 to vector<16xi32>
        %and3A_422 = arith.andi %gather3A_346, %and3A_421 : vector<16xi32>
        %bitcast3A_423 = vector.bitcast %and3A_422 : vector<16xi32> to vector<16xf32>
        %shift_left3A_424 = arith.constant 16 : i32
        %shift_left3A_425 = vector.broadcast %shift_left3A_424 : i32 to vector<16xi32>
        %shift_left3A_426 = arith.shli %gather3A_348, %shift_left3A_425 : vector<16xi32>
        %bitcast3A_427 = vector.bitcast %shift_left3A_426 : vector<16xi32> to vector<16xf32>
        %and3A_428 = vector.broadcast %scan3A_93 : i32 to vector<16xi32>
        %and3A_429 = arith.andi %gather3A_348, %and3A_428 : vector<16xi32>
        %bitcast3A_430 = vector.bitcast %and3A_429 : vector<16xi32> to vector<16xf32>
        %sub3A_431 = arith.subf %bitcast3A_420, %bitcast3A_427 : vector<16xf32>
        tpu.vector_store_idx %arg13[%scan3A_325], %sub3A_431 {add = true} : memref<10000xf32, #tpu.memory_space<vmem>>[vector<16xi32>], vector<16xf32>,
        %sub3A_432 = arith.subf %bitcast3A_423, %bitcast3A_430 : vector<16xf32>
        tpu.vector_store_idx %arg14[%scan3A_325], %sub3A_432 {add = true} : memref<10000xf32, #tpu.memory_space<vmem>>[vector<16xi32>], vector<16xf32>,
        %scan3A_433 = arith.constant 2 : i32
        %scan3A_434 = arith.addi %scan3A_323, %scan3A_433 : i32
        %add3A_435 = arith.constant 2 : i32
        %add3A_436 = arith.addi %scan3A_434, %add3A_435 : i32
        %mul3A_437 = arith.constant 16 : i32
        %mul3A_438 = arith.muli %add3A_436, %mul3A_437 : i32
        %get3A_439 = arith.index_cast %mul3A_438 : i32 to index
        %get3A_440 = tpu.vector_load %arg15[%get3A_439] {strides = array<i32>} : memref<4000xi32, #tpu.memory_space<vmem>>, vector<16xi32>,
        %get3A_441 = arith.index_cast %mul3A_438 : i32 to index
        %get3A_442 = tpu.vector_load %arg17[%get3A_441] {strides = array<i32>} : memref<4000xi32, #tpu.memory_space<vmem>>, vector<16xi32>,
        %shift_right_logical3A_443 = arith.constant 8 : i32
        %shift_right_logical3A_444 = vector.broadcast %shift_right_logical3A_443 : i32 to vector<16xi32>
        %shift_right_logical3A_445 = arith.shrui %get3A_388, %shift_right_logical3A_444 : vector<16xi32>
        %and3A_446 = arith.constant 255 : i32
        %and3A_447 = vector.broadcast %and3A_446 : i32 to vector<16xi32>
        %and3A_448 = arith.andi %get3A_388, %and3A_447 : vector<16xi32>
        %gather3A_449 = tpu.vector_load_idx %arg7[%shift_right_logical3A_445] : memref<10000xi32, #tpu.memory_space<vmem>>[vector<16xi32>], vector<16xi32>,
        %gather3A_450 = tpu.vector_load_idx %arg8[%shift_right_logical3A_445] : memref<10000xi32, #tpu.memory_space<vmem>>[vector<16xi32>], vector<16xi32>,
        %gather3A_451 = tpu.vector_load_idx %arg9[%and3A_448] : memref<200xi32, #tpu.memory_space<vmem>>[vector<16xi32>], vector<16xi32>,
        %gather3A_452 = tpu.vector_load_idx %arg10[%and3A_448] : memref<200xi32, #tpu.memory_space<vmem>>[vector<16xi32>], vector<16xi32>,
        %shift_left3A_453 = arith.constant 16 : i32
        %shift_left3A_454 = vector.broadcast %shift_left3A_453 : i32 to vector<16xi32>
        %shift_left3A_455 = arith.shli %gather3A_397, %shift_left3A_454 : vector<16xi32>
        %bitcast3A_456 = vector.bitcast %shift_left3A_455 : vector<16xi32> to vector<16xf32>
        %and3A_457 = vector.broadcast %scan3A_93 : i32 to vector<16xi32>
        %and3A_458 = arith.andi %gather3A_397, %and3A_457 : vector<16xi32>
        %bitcast3A_459 = vector.bitcast %and3A_458 : vector<16xi32> to vector<16xf32>
        %shift_left3A_460 = arith.constant 16 : i32
        %shift_left3A_461 = vector.broadcast %shift_left3A_460 : i32 to vector<16xi32>
        %shift_left3A_462 = arith.shli %gather3A_399, %shift_left3A_461 : vector<16xi32>
        %bitcast3A_463 = vector.bitcast %shift_left3A_462 : vector<16xi32> to vector<16xf32>
        %and3A_464 = vector.broadcast %scan3A_93 : i32 to vector<16xi32>
        %and3A_465 = arith.andi %gather3A_399, %and3A_464 : vector<16xi32>
        %bitcast3A_466 = vector.bitcast %and3A_465 : vector<16xi32> to vector<16xf32>
        %sub3A_467 = arith.subf %bitcast3A_456, %bitcast3A_463 : vector<16xf32>
        tpu.vector_store_idx %arg11[%get3A_338], %sub3A_467 {add = true} : memref<10000xf32, #tpu.memory_space<vmem>>[vector<16xi32>], vector<16xf32>,
        %sub3A_468 = arith.subf %bitcast3A_459, %bitcast3A_466 : vector<16xf32>
        tpu.vector_store_idx %arg12[%get3A_338], %sub3A_468 {add = true} : memref<10000xf32, #tpu.memory_space<vmem>>[vector<16xi32>], vector<16xf32>,
        %shift_left3A_469 = arith.constant 16 : i32
        %shift_left3A_470 = vector.broadcast %shift_left3A_469 : i32 to vector<16xi32>
        %shift_left3A_471 = arith.shli %gather3A_398, %shift_left3A_470 : vector<16xi32>
        %bitcast3A_472 = vector.bitcast %shift_left3A_471 : vector<16xi32> to vector<16xf32>
        %and3A_473 = vector.broadcast %scan3A_93 : i32 to vector<16xi32>
        %and3A_474 = arith.andi %gather3A_398, %and3A_473 : vector<16xi32>
        %bitcast3A_475 = vector.bitcast %and3A_474 : vector<16xi32> to vector<16xf32>
        %shift_left3A_476 = arith.constant 16 : i32
        %shift_left3A_477 = vector.broadcast %shift_left3A_476 : i32 to vector<16xi32>
        %shift_left3A_478 = arith.shli %gather3A_400, %shift_left3A_477 : vector<16xi32>
        %bitcast3A_479 = vector.bitcast %shift_left3A_478 : vector<16xi32> to vector<16xf32>
        %and3A_480 = vector.broadcast %scan3A_93 : i32 to vector<16xi32>
        %and3A_481 = arith.andi %gather3A_400, %and3A_480 : vector<16xi32>
        %bitcast3A_482 = vector.bitcast %and3A_481 : vector<16xi32> to vector<16xf32>
        %sub3A_483 = arith.subf %bitcast3A_472, %bitcast3A_479 : vector<16xf32>
        tpu.vector_store_idx %arg13[%get3A_338], %sub3A_483 {add = true} : memref<10000xf32, #tpu.memory_space<vmem>>[vector<16xi32>], vector<16xf32>,
        %sub3A_484 = arith.subf %bitcast3A_475, %bitcast3A_482 : vector<16xf32>
        tpu.vector_store_idx %arg14[%get3A_338], %sub3A_484 {add = true} : memref<10000xf32, #tpu.memory_space<vmem>>[vector<16xi32>], vector<16xf32>,
        %scan3A_485 = arith.constant 3 : i32
        %scan3A_486 = arith.addi %scan3A_323, %scan3A_485 : i32
        %add3A_487 = arith.constant 2 : i32
        %add3A_488 = arith.addi %scan3A_486, %add3A_487 : i32
        %mul3A_489 = arith.constant 16 : i32
        %mul3A_490 = arith.muli %add3A_488, %mul3A_489 : i32
        %get3A_491 = arith.index_cast %mul3A_490 : i32 to index
        %get3A_492 = tpu.vector_load %arg15[%get3A_491] {strides = array<i32>} : memref<4000xi32, #tpu.memory_space<vmem>>, vector<16xi32>,
        %get3A_493 = arith.index_cast %mul3A_490 : i32 to index
        %get3A_494 = tpu.vector_load %arg17[%get3A_493] {strides = array<i32>} : memref<4000xi32, #tpu.memory_space<vmem>>, vector<16xi32>,
        %shift_right_logical3A_495 = arith.constant 8 : i32
        %shift_right_logical3A_496 = vector.broadcast %shift_right_logical3A_495 : i32 to vector<16xi32>
        %shift_right_logical3A_497 = arith.shrui %get3A_440, %shift_right_logical3A_496 : vector<16xi32>
        %and3A_498 = arith.constant 255 : i32
        %and3A_499 = vector.broadcast %and3A_498 : i32 to vector<16xi32>
        %and3A_500 = arith.andi %get3A_440, %and3A_499 : vector<16xi32>
        %gather3A_501 = tpu.vector_load_idx %arg7[%shift_right_logical3A_497] : memref<10000xi32, #tpu.memory_space<vmem>>[vector<16xi32>], vector<16xi32>,
        %gather3A_502 = tpu.vector_load_idx %arg8[%shift_right_logical3A_497] : memref<10000xi32, #tpu.memory_space<vmem>>[vector<16xi32>], vector<16xi32>,
        %gather3A_503 = tpu.vector_load_idx %arg9[%and3A_500] : memref<200xi32, #tpu.memory_space<vmem>>[vector<16xi32>], vector<16xi32>,
        %gather3A_504 = tpu.vector_load_idx %arg10[%and3A_500] : memref<200xi32, #tpu.memory_space<vmem>>[vector<16xi32>], vector<16xi32>,
        %shift_left3A_505 = arith.constant 16 : i32
        %shift_left3A_506 = vector.broadcast %shift_left3A_505 : i32 to vector<16xi32>
        %shift_left3A_507 = arith.shli %gather3A_449, %shift_left3A_506 : vector<16xi32>
        %bitcast3A_508 = vector.bitcast %shift_left3A_507 : vector<16xi32> to vector<16xf32>
        %and3A_509 = vector.broadcast %scan3A_93 : i32 to vector<16xi32>
        %and3A_510 = arith.andi %gather3A_449, %and3A_509 : vector<16xi32>
        %bitcast3A_511 = vector.bitcast %and3A_510 : vector<16xi32> to vector<16xf32>
        %shift_left3A_512 = arith.constant 16 : i32
        %shift_left3A_513 = vector.broadcast %shift_left3A_512 : i32 to vector<16xi32>
        %shift_left3A_514 = arith.shli %gather3A_451, %shift_left3A_513 : vector<16xi32>
        %bitcast3A_515 = vector.bitcast %shift_left3A_514 : vector<16xi32> to vector<16xf32>
        %and3A_516 = vector.broadcast %scan3A_93 : i32 to vector<16xi32>
        %and3A_517 = arith.andi %gather3A_451, %and3A_516 : vector<16xi32>
        %bitcast3A_518 = vector.bitcast %and3A_517 : vector<16xi32> to vector<16xf32>
        %sub3A_519 = arith.subf %bitcast3A_508, %bitcast3A_515 : vector<16xf32>
        tpu.vector_store_idx %arg11[%get3A_390], %sub3A_519 {add = true} : memref<10000xf32, #tpu.memory_space<vmem>>[vector<16xi32>], vector<16xf32>,
        %sub3A_520 = arith.subf %bitcast3A_511, %bitcast3A_518 : vector<16xf32>
        tpu.vector_store_idx %arg12[%get3A_390], %sub3A_520 {add = true} : memref<10000xf32, #tpu.memory_space<vmem>>[vector<16xi32>], vector<16xf32>,
        %shift_left3A_521 = arith.constant 16 : i32
        %shift_left3A_522 = vector.broadcast %shift_left3A_521 : i32 to vector<16xi32>
        %shift_left3A_523 = arith.shli %gather3A_450, %shift_left3A_522 : vector<16xi32>
        %bitcast3A_524 = vector.bitcast %shift_left3A_523 : vector<16xi32> to vector<16xf32>
        %and3A_525 = vector.broadcast %scan3A_93 : i32 to vector<16xi32>
        %and3A_526 = arith.andi %gather3A_450, %and3A_525 : vector<16xi32>
        %bitcast3A_527 = vector.bitcast %and3A_526 : vector<16xi32> to vector<16xf32>
        %shift_left3A_528 = arith.constant 16 : i32
        %shift_left3A_529 = vector.broadcast %shift_left3A_528 : i32 to vector<16xi32>
        %shift_left3A_530 = arith.shli %gather3A_452, %shift_left3A_529 : vector<16xi32>
        %bitcast3A_531 = vector.bitcast %shift_left3A_530 : vector<16xi32> to vector<16xf32>
        %and3A_532 = vector.broadcast %scan3A_93 : i32 to vector<16xi32>
        %and3A_533 = arith.andi %gather3A_452, %and3A_532 : vector<16xi32>
        %bitcast3A_534 = vector.bitcast %and3A_533 : vector<16xi32> to vector<16xf32>
        %sub3A_535 = arith.subf %bitcast3A_524, %bitcast3A_531 : vector<16xf32>
        tpu.vector_store_idx %arg13[%get3A_390], %sub3A_535 {add = true} : memref<10000xf32, #tpu.memory_space<vmem>>[vector<16xi32>], vector<16xf32>,
        %sub3A_536 = arith.subf %bitcast3A_527, %bitcast3A_534 : vector<16xf32>
        tpu.vector_store_idx %arg14[%get3A_390], %sub3A_536 {add = true} : memref<10000xf32, #tpu.memory_space<vmem>>[vector<16xi32>], vector<16xf32>,
        %scan3A_537 = arith.constant 4 : i32
        %scan3A_538 = arith.addi %scan3A_323, %scan3A_537 : i32
        %add3A_539 = arith.constant 2 : i32
        %add3A_540 = arith.addi %scan3A_538, %add3A_539 : i32
        %mul3A_541 = arith.constant 16 : i32
        %mul3A_542 = arith.muli %add3A_540, %mul3A_541 : i32
        %get3A_543 = arith.index_cast %mul3A_542 : i32 to index
        %get3A_544 = tpu.vector_load %arg15[%get3A_543] {strides = array<i32>} : memref<4000xi32, #tpu.memory_space<vmem>>, vector<16xi32>,
        %get3A_545 = arith.index_cast %mul3A_542 : i32 to index
        %get3A_546 = tpu.vector_load %arg17[%get3A_545] {strides = array<i32>} : memref<4000xi32, #tpu.memory_space<vmem>>, vector<16xi32>,
        %shift_right_logical3A_547 = arith.constant 8 : i32
        %shift_right_logical3A_548 = vector.broadcast %shift_right_logical3A_547 : i32 to vector<16xi32>
        %shift_right_logical3A_549 = arith.shrui %get3A_492, %shift_right_logical3A_548 : vector<16xi32>
        %and3A_550 = arith.constant 255 : i32
        %and3A_551 = vector.broadcast %and3A_550 : i32 to vector<16xi32>
        %and3A_552 = arith.andi %get3A_492, %and3A_551 : vector<16xi32>
        %gather3A_553 = tpu.vector_load_idx %arg7[%shift_right_logical3A_549] : memref<10000xi32, #tpu.memory_space<vmem>>[vector<16xi32>], vector<16xi32>,
        %gather3A_554 = tpu.vector_load_idx %arg8[%shift_right_logical3A_549] : memref<10000xi32, #tpu.memory_space<vmem>>[vector<16xi32>], vector<16xi32>,
        %gather3A_555 = tpu.vector_load_idx %arg9[%and3A_552] : memref<200xi32, #tpu.memory_space<vmem>>[vector<16xi32>], vector<16xi32>,
        %gather3A_556 = tpu.vector_load_idx %arg10[%and3A_552] : memref<200xi32, #tpu.memory_space<vmem>>[vector<16xi32>], vector<16xi32>,
        %shift_left3A_557 = arith.constant 16 : i32
        %shift_left3A_558 = vector.broadcast %shift_left3A_557 : i32 to vector<16xi32>
        %shift_left3A_559 = arith.shli %gather3A_501, %shift_left3A_558 : vector<16xi32>
        %bitcast3A_560 = vector.bitcast %shift_left3A_559 : vector<16xi32> to vector<16xf32>
        %and3A_561 = vector.broadcast %scan3A_93 : i32 to vector<16xi32>
        %and3A_562 = arith.andi %gather3A_501, %and3A_561 : vector<16xi32>
        %bitcast3A_563 = vector.bitcast %and3A_562 : vector<16xi32> to vector<16xf32>
        %shift_left3A_564 = arith.constant 16 : i32
        %shift_left3A_565 = vector.broadcast %shift_left3A_564 : i32 to vector<16xi32>
        %shift_left3A_566 = arith.shli %gather3A_503, %shift_left3A_565 : vector<16xi32>
        %bitcast3A_567 = vector.bitcast %shift_left3A_566 : vector<16xi32> to vector<16xf32>
        %and3A_568 = vector.broadcast %scan3A_93 : i32 to vector<16xi32>
        %and3A_569 = arith.andi %gather3A_503, %and3A_568 : vector<16xi32>
        %bitcast3A_570 = vector.bitcast %and3A_569 : vector<16xi32> to vector<16xf32>
        %sub3A_571 = arith.subf %bitcast3A_560, %bitcast3A_567 : vector<16xf32>
        tpu.vector_store_idx %arg11[%get3A_442], %sub3A_571 {add = true} : memref<10000xf32, #tpu.memory_space<vmem>>[vector<16xi32>], vector<16xf32>,
        %sub3A_572 = arith.subf %bitcast3A_563, %bitcast3A_570 : vector<16xf32>
        tpu.vector_store_idx %arg12[%get3A_442], %sub3A_572 {add = true} : memref<10000xf32, #tpu.memory_space<vmem>>[vector<16xi32>], vector<16xf32>,
        %shift_left3A_573 = arith.constant 16 : i32
        %shift_left3A_574 = vector.broadcast %shift_left3A_573 : i32 to vector<16xi32>
        %shift_left3A_575 = arith.shli %gather3A_502, %shift_left3A_574 : vector<16xi32>
        %bitcast3A_576 = vector.bitcast %shift_left3A_575 : vector<16xi32> to vector<16xf32>
        %and3A_577 = vector.broadcast %scan3A_93 : i32 to vector<16xi32>
        %and3A_578 = arith.andi %gather3A_502, %and3A_577 : vector<16xi32>
        %bitcast3A_579 = vector.bitcast %and3A_578 : vector<16xi32> to vector<16xf32>
        %shift_left3A_580 = arith.constant 16 : i32
        %shift_left3A_581 = vector.broadcast %shift_left3A_580 : i32 to vector<16xi32>
        %shift_left3A_582 = arith.shli %gather3A_504, %shift_left3A_581 : vector<16xi32>
        %bitcast3A_583 = vector.bitcast %shift_left3A_582 : vector<16xi32> to vector<16xf32>
        %and3A_584 = vector.broadcast %scan3A_93 : i32 to vector<16xi32>
        %and3A_585 = arith.andi %gather3A_504, %and3A_584 : vector<16xi32>
        %bitcast3A_586 = vector.bitcast %and3A_585 : vector<16xi32> to vector<16xf32>
        %sub3A_587 = arith.subf %bitcast3A_576, %bitcast3A_583 : vector<16xf32>
        tpu.vector_store_idx %arg13[%get3A_442], %sub3A_587 {add = true} : memref<10000xf32, #tpu.memory_space<vmem>>[vector<16xi32>], vector<16xf32>,
        %sub3A_588 = arith.subf %bitcast3A_579, %bitcast3A_586 : vector<16xf32>
        tpu.vector_store_idx %arg14[%get3A_442], %sub3A_588 {add = true} : memref<10000xf32, #tpu.memory_space<vmem>>[vector<16xi32>], vector<16xf32>,
        %scan3A_589 = arith.constant 5 : i32
        %scan3A_590 = arith.addi %scan3A_323, %scan3A_589 : i32
        %add3A_591 = arith.constant 2 : i32
        %add3A_592 = arith.addi %scan3A_590, %add3A_591 : i32
        %mul3A_593 = arith.constant 16 : i32
        %mul3A_594 = arith.muli %add3A_592, %mul3A_593 : i32
        %get3A_595 = arith.index_cast %mul3A_594 : i32 to index
        %get3A_596 = tpu.vector_load %arg15[%get3A_595] {strides = array<i32>} : memref<4000xi32, #tpu.memory_space<vmem>>, vector<16xi32>,
        %get3A_597 = arith.index_cast %mul3A_594 : i32 to index
        %get3A_598 = tpu.vector_load %arg17[%get3A_597] {strides = array<i32>} : memref<4000xi32, #tpu.memory_space<vmem>>, vector<16xi32>,
        %shift_right_logical3A_599 = arith.constant 8 : i32
        %shift_right_logical3A_600 = vector.broadcast %shift_right_logical3A_599 : i32 to vector<16xi32>
        %shift_right_logical3A_601 = arith.shrui %get3A_544, %shift_right_logical3A_600 : vector<16xi32>
        %and3A_602 = arith.constant 255 : i32
        %and3A_603 = vector.broadcast %and3A_602 : i32 to vector<16xi32>
        %and3A_604 = arith.andi %get3A_544, %and3A_603 : vector<16xi32>
        %gather3A_605 = tpu.vector_load_idx %arg7[%shift_right_logical3A_601] : memref<10000xi32, #tpu.memory_space<vmem>>[vector<16xi32>], vector<16xi32>,
        %gather3A_606 = tpu.vector_load_idx %arg8[%shift_right_logical3A_601] : memref<10000xi32, #tpu.memory_space<vmem>>[vector<16xi32>], vector<16xi32>,
        %gather3A_607 = tpu.vector_load_idx %arg9[%and3A_604] : memref<200xi32, #tpu.memory_space<vmem>>[vector<16xi32>], vector<16xi32>,
        %gather3A_608 = tpu.vector_load_idx %arg10[%and3A_604] : memref<200xi32, #tpu.memory_space<vmem>>[vector<16xi32>], vector<16xi32>,
        %shift_left3A_609 = arith.constant 16 : i32
        %shift_left3A_610 = vector.broadcast %shift_left3A_609 : i32 to vector<16xi32>
        %shift_left3A_611 = arith.shli %gather3A_553, %shift_left3A_610 : vector<16xi32>
        %bitcast3A_612 = vector.bitcast %shift_left3A_611 : vector<16xi32> to vector<16xf32>
        %and3A_613 = vector.broadcast %scan3A_93 : i32 to vector<16xi32>
        %and3A_614 = arith.andi %gather3A_553, %and3A_613 : vector<16xi32>
        %bitcast3A_615 = vector.bitcast %and3A_614 : vector<16xi32> to vector<16xf32>
        %shift_left3A_616 = arith.constant 16 : i32
        %shift_left3A_617 = vector.broadcast %shift_left3A_616 : i32 to vector<16xi32>
        %shift_left3A_618 = arith.shli %gather3A_555, %shift_left3A_617 : vector<16xi32>
        %bitcast3A_619 = vector.bitcast %shift_left3A_618 : vector<16xi32> to vector<16xf32>
        %and3A_620 = vector.broadcast %scan3A_93 : i32 to vector<16xi32>
        %and3A_621 = arith.andi %gather3A_555, %and3A_620 : vector<16xi32>
        %bitcast3A_622 = vector.bitcast %and3A_621 : vector<16xi32> to vector<16xf32>
        %sub3A_623 = arith.subf %bitcast3A_612, %bitcast3A_619 : vector<16xf32>
        tpu.vector_store_idx %arg11[%get3A_494], %sub3A_623 {add = true} : memref<10000xf32, #tpu.memory_space<vmem>>[vector<16xi32>], vector<16xf32>,
        %sub3A_624 = arith.subf %bitcast3A_615, %bitcast3A_622 : vector<16xf32>
        tpu.vector_store_idx %arg12[%get3A_494], %sub3A_624 {add = true} : memref<10000xf32, #tpu.memory_space<vmem>>[vector<16xi32>], vector<16xf32>,
        %shift_left3A_625 = arith.constant 16 : i32
        %shift_left3A_626 = vector.broadcast %shift_left3A_625 : i32 to vector<16xi32>
        %shift_left3A_627 = arith.shli %gather3A_554, %shift_left3A_626 : vector<16xi32>
        %bitcast3A_628 = vector.bitcast %shift_left3A_627 : vector<16xi32> to vector<16xf32>
        %and3A_629 = vector.broadcast %scan3A_93 : i32 to vector<16xi32>
        %and3A_630 = arith.andi %gather3A_554, %and3A_629 : vector<16xi32>
        %bitcast3A_631 = vector.bitcast %and3A_630 : vector<16xi32> to vector<16xf32>
        %shift_left3A_632 = arith.constant 16 : i32
        %shift_left3A_633 = vector.broadcast %shift_left3A_632 : i32 to vector<16xi32>
        %shift_left3A_634 = arith.shli %gather3A_556, %shift_left3A_633 : vector<16xi32>
        %bitcast3A_635 = vector.bitcast %shift_left3A_634 : vector<16xi32> to vector<16xf32>
        %and3A_636 = vector.broadcast %scan3A_93 : i32 to vector<16xi32>
        %and3A_637 = arith.andi %gather3A_556, %and3A_636 : vector<16xi32>
        %bitcast3A_638 = vector.bitcast %and3A_637 : vector<16xi32> to vector<16xf32>
        %sub3A_639 = arith.subf %bitcast3A_628, %bitcast3A_635 : vector<16xf32>
        tpu.vector_store_idx %arg13[%get3A_494], %sub3A_639 {add = true} : memref<10000xf32, #tpu.memory_space<vmem>>[vector<16xi32>], vector<16xf32>,
        %sub3A_640 = arith.subf %bitcast3A_631, %bitcast3A_638 : vector<16xf32>
        tpu.vector_store_idx %arg14[%get3A_494], %sub3A_640 {add = true} : memref<10000xf32, #tpu.memory_space<vmem>>[vector<16xi32>], vector<16xf32>,
        %scan3A_641 = arith.constant 6 : i32
        %scan3A_642 = arith.addi %scan3A_323, %scan3A_641 : i32
        %add3A_643 = arith.constant 2 : i32
        %add3A_644 = arith.addi %scan3A_642, %add3A_643 : i32
        %mul3A_645 = arith.constant 16 : i32
        %mul3A_646 = arith.muli %add3A_644, %mul3A_645 : i32
        %get3A_647 = arith.index_cast %mul3A_646 : i32 to index
        %get3A_648 = tpu.vector_load %arg15[%get3A_647] {strides = array<i32>} : memref<4000xi32, #tpu.memory_space<vmem>>, vector<16xi32>,
        %get3A_649 = arith.index_cast %mul3A_646 : i32 to index
        %get3A_650 = tpu.vector_load %arg17[%get3A_649] {strides = array<i32>} : memref<4000xi32, #tpu.memory_space<vmem>>, vector<16xi32>,
        %shift_right_logical3A_651 = arith.constant 8 : i32
        %shift_right_logical3A_652 = vector.broadcast %shift_right_logical3A_651 : i32 to vector<16xi32>
        %shift_right_logical3A_653 = arith.shrui %get3A_596, %shift_right_logical3A_652 : vector<16xi32>
        %and3A_654 = arith.constant 255 : i32
        %and3A_655 = vector.broadcast %and3A_654 : i32 to vector<16xi32>
        %and3A_656 = arith.andi %get3A_596, %and3A_655 : vector<16xi32>
        %gather3A_657 = tpu.vector_load_idx %arg7[%shift_right_logical3A_653] : memref<10000xi32, #tpu.memory_space<vmem>>[vector<16xi32>], vector<16xi32>,
        %gather3A_658 = tpu.vector_load_idx %arg8[%shift_right_logical3A_653] : memref<10000xi32, #tpu.memory_space<vmem>>[vector<16xi32>], vector<16xi32>,
        %gather3A_659 = tpu.vector_load_idx %arg9[%and3A_656] : memref<200xi32, #tpu.memory_space<vmem>>[vector<16xi32>], vector<16xi32>,
        %gather3A_660 = tpu.vector_load_idx %arg10[%and3A_656] : memref<200xi32, #tpu.memory_space<vmem>>[vector<16xi32>], vector<16xi32>,
        %shift_left3A_661 = arith.constant 16 : i32
        %shift_left3A_662 = vector.broadcast %shift_left3A_661 : i32 to vector<16xi32>
        %shift_left3A_663 = arith.shli %gather3A_605, %shift_left3A_662 : vector<16xi32>
        %bitcast3A_664 = vector.bitcast %shift_left3A_663 : vector<16xi32> to vector<16xf32>
        %and3A_665 = vector.broadcast %scan3A_93 : i32 to vector<16xi32>
        %and3A_666 = arith.andi %gather3A_605, %and3A_665 : vector<16xi32>
        %bitcast3A_667 = vector.bitcast %and3A_666 : vector<16xi32> to vector<16xf32>
        %shift_left3A_668 = arith.constant 16 : i32
        %shift_left3A_669 = vector.broadcast %shift_left3A_668 : i32 to vector<16xi32>
        %shift_left3A_670 = arith.shli %gather3A_607, %shift_left3A_669 : vector<16xi32>
        %bitcast3A_671 = vector.bitcast %shift_left3A_670 : vector<16xi32> to vector<16xf32>
        %and3A_672 = vector.broadcast %scan3A_93 : i32 to vector<16xi32>
        %and3A_673 = arith.andi %gather3A_607, %and3A_672 : vector<16xi32>
        %bitcast3A_674 = vector.bitcast %and3A_673 : vector<16xi32> to vector<16xf32>
        %sub3A_675 = arith.subf %bitcast3A_664, %bitcast3A_671 : vector<16xf32>
        tpu.vector_store_idx %arg11[%get3A_546], %sub3A_675 {add = true} : memref<10000xf32, #tpu.memory_space<vmem>>[vector<16xi32>], vector<16xf32>,
        %sub3A_676 = arith.subf %bitcast3A_667, %bitcast3A_674 : vector<16xf32>
        tpu.vector_store_idx %arg12[%get3A_546], %sub3A_676 {add = true} : memref<10000xf32, #tpu.memory_space<vmem>>[vector<16xi32>], vector<16xf32>,
        %shift_left3A_677 = arith.constant 16 : i32
        %shift_left3A_678 = vector.broadcast %shift_left3A_677 : i32 to vector<16xi32>
        %shift_left3A_679 = arith.shli %gather3A_606, %shift_left3A_678 : vector<16xi32>
        %bitcast3A_680 = vector.bitcast %shift_left3A_679 : vector<16xi32> to vector<16xf32>
        %and3A_681 = vector.broadcast %scan3A_93 : i32 to vector<16xi32>
        %and3A_682 = arith.andi %gather3A_606, %and3A_681 : vector<16xi32>
        %bitcast3A_683 = vector.bitcast %and3A_682 : vector<16xi32> to vector<16xf32>
        %shift_left3A_684 = arith.constant 16 : i32
        %shift_left3A_685 = vector.broadcast %shift_left3A_684 : i32 to vector<16xi32>
        %shift_left3A_686 = arith.shli %gather3A_608, %shift_left3A_685 : vector<16xi32>
        %bitcast3A_687 = vector.bitcast %shift_left3A_686 : vector<16xi32> to vector<16xf32>
        %and3A_688 = vector.broadcast %scan3A_93 : i32 to vector<16xi32>
        %and3A_689 = arith.andi %gather3A_608, %and3A_688 : vector<16xi32>
        %bitcast3A_690 = vector.bitcast %and3A_689 : vector<16xi32> to vector<16xf32>
        %sub3A_691 = arith.subf %bitcast3A_680, %bitcast3A_687 : vector<16xf32>
        tpu.vector_store_idx %arg13[%get3A_546], %sub3A_691 {add = true} : memref<10000xf32, #tpu.memory_space<vmem>>[vector<16xi32>], vector<16xf32>,
        %sub3A_692 = arith.subf %bitcast3A_683, %bitcast3A_690 : vector<16xf32>
        tpu.vector_store_idx %arg14[%get3A_546], %sub3A_692 {add = true} : memref<10000xf32, #tpu.memory_space<vmem>>[vector<16xi32>], vector<16xf32>,
        %scan3A_693 = arith.constant 7 : i32
        %scan3A_694 = arith.addi %scan3A_323, %scan3A_693 : i32
        %add3A_695 = arith.constant 2 : i32
        %add3A_696 = arith.addi %scan3A_694, %add3A_695 : i32
        %mul3A_697 = arith.constant 16 : i32
        %mul3A_698 = arith.muli %add3A_696, %mul3A_697 : i32
        %get3A_699 = arith.index_cast %mul3A_698 : i32 to index
        %get3A_700 = tpu.vector_load %arg15[%get3A_699] {strides = array<i32>} : memref<4000xi32, #tpu.memory_space<vmem>>, vector<16xi32>,
        %get3A_701 = arith.index_cast %mul3A_698 : i32 to index
        %get3A_702 = tpu.vector_load %arg17[%get3A_701] {strides = array<i32>} : memref<4000xi32, #tpu.memory_space<vmem>>, vector<16xi32>,
        %shift_right_logical3A_703 = arith.constant 8 : i32
        %shift_right_logical3A_704 = vector.broadcast %shift_right_logical3A_703 : i32 to vector<16xi32>
        %shift_right_logical3A_705 = arith.shrui %get3A_648, %shift_right_logical3A_704 : vector<16xi32>
        %and3A_706 = arith.constant 255 : i32
        %and3A_707 = vector.broadcast %and3A_706 : i32 to vector<16xi32>
        %and3A_708 = arith.andi %get3A_648, %and3A_707 : vector<16xi32>
        %gather3A_709 = tpu.vector_load_idx %arg7[%shift_right_logical3A_705] : memref<10000xi32, #tpu.memory_space<vmem>>[vector<16xi32>], vector<16xi32>,
        %gather3A_710 = tpu.vector_load_idx %arg8[%shift_right_logical3A_705] : memref<10000xi32, #tpu.memory_space<vmem>>[vector<16xi32>], vector<16xi32>,
        %gather3A_711 = tpu.vector_load_idx %arg9[%and3A_708] : memref<200xi32, #tpu.memory_space<vmem>>[vector<16xi32>], vector<16xi32>,
        %gather3A_712 = tpu.vector_load_idx %arg10[%and3A_708] : memref<200xi32, #tpu.memory_space<vmem>>[vector<16xi32>], vector<16xi32>,
        %shift_left3A_713 = arith.constant 16 : i32
        %shift_left3A_714 = vector.broadcast %shift_left3A_713 : i32 to vector<16xi32>
        %shift_left3A_715 = arith.shli %gather3A_657, %shift_left3A_714 : vector<16xi32>
        %bitcast3A_716 = vector.bitcast %shift_left3A_715 : vector<16xi32> to vector<16xf32>
        %and3A_717 = vector.broadcast %scan3A_93 : i32 to vector<16xi32>
        %and3A_718 = arith.andi %gather3A_657, %and3A_717 : vector<16xi32>
        %bitcast3A_719 = vector.bitcast %and3A_718 : vector<16xi32> to vector<16xf32>
        %shift_left3A_720 = arith.constant 16 : i32
        %shift_left3A_721 = vector.broadcast %shift_left3A_720 : i32 to vector<16xi32>
        %shift_left3A_722 = arith.shli %gather3A_659, %shift_left3A_721 : vector<16xi32>
        %bitcast3A_723 = vector.bitcast %shift_left3A_722 : vector<16xi32> to vector<16xf32>
        %and3A_724 = vector.broadcast %scan3A_93 : i32 to vector<16xi32>
        %and3A_725 = arith.andi %gather3A_659, %and3A_724 : vector<16xi32>
        %bitcast3A_726 = vector.bitcast %and3A_725 : vector<16xi32> to vector<16xf32>
        %sub3A_727 = arith.subf %bitcast3A_716, %bitcast3A_723 : vector<16xf32>
        tpu.vector_store_idx %arg11[%get3A_598], %sub3A_727 {add = true} : memref<10000xf32, #tpu.memory_space<vmem>>[vector<16xi32>], vector<16xf32>,
        %sub3A_728 = arith.subf %bitcast3A_719, %bitcast3A_726 : vector<16xf32>
        tpu.vector_store_idx %arg12[%get3A_598], %sub3A_728 {add = true} : memref<10000xf32, #tpu.memory_space<vmem>>[vector<16xi32>], vector<16xf32>,
        %shift_left3A_729 = arith.constant 16 : i32
        %shift_left3A_730 = vector.broadcast %shift_left3A_729 : i32 to vector<16xi32>
        %shift_left3A_731 = arith.shli %gather3A_658, %shift_left3A_730 : vector<16xi32>
        %bitcast3A_732 = vector.bitcast %shift_left3A_731 : vector<16xi32> to vector<16xf32>
        %and3A_733 = vector.broadcast %scan3A_93 : i32 to vector<16xi32>
        %and3A_734 = arith.andi %gather3A_658, %and3A_733 : vector<16xi32>
        %bitcast3A_735 = vector.bitcast %and3A_734 : vector<16xi32> to vector<16xf32>
        %shift_left3A_736 = arith.constant 16 : i32
        %shift_left3A_737 = vector.broadcast %shift_left3A_736 : i32 to vector<16xi32>
        %shift_left3A_738 = arith.shli %gather3A_660, %shift_left3A_737 : vector<16xi32>
        %bitcast3A_739 = vector.bitcast %shift_left3A_738 : vector<16xi32> to vector<16xf32>
        %and3A_740 = vector.broadcast %scan3A_93 : i32 to vector<16xi32>
        %and3A_741 = arith.andi %gather3A_660, %and3A_740 : vector<16xi32>
        %bitcast3A_742 = vector.bitcast %and3A_741 : vector<16xi32> to vector<16xf32>
        %sub3A_743 = arith.subf %bitcast3A_732, %bitcast3A_739 : vector<16xf32>
        tpu.vector_store_idx %arg13[%get3A_598], %sub3A_743 {add = true} : memref<10000xf32, #tpu.memory_space<vmem>>[vector<16xi32>], vector<16xf32>,
        %sub3A_744 = arith.subf %bitcast3A_735, %bitcast3A_742 : vector<16xf32>
        tpu.vector_store_idx %arg14[%get3A_598], %sub3A_744 {add = true} : memref<10000xf32, #tpu.memory_space<vmem>>[vector<16xi32>], vector<16xf32>,
        scf.yield %get3A_700, %get3A_702, %gather3A_709, %gather3A_710, %gather3A_711, %gather3A_712, %get3A_650 : vector<16xi32>, vector<16xi32>, vector<16xi32>, vector<16xi32>, vector<16xi32>, vector<16xi32>, vector<16xi32>
      }
      %scan3A_136 = arith.constant 248 : i32
      %shift_right_logical3A_137 = arith.constant 8 : i32
      %shift_right_logical3A_138 = vector.broadcast %shift_right_logical3A_137 : i32 to vector<16xi32>
      %shift_right_logical3A_139 = arith.shrui %scan3A_135#0, %shift_right_logical3A_138 : vector<16xi32>
      %and3A_140 = arith.constant 255 : i32
      %and3A_141 = vector.broadcast %and3A_140 : i32 to vector<16xi32>
      %and3A_142 = arith.andi %scan3A_135#0, %and3A_141 : vector<16xi32>
      %gather3A_143 = tpu.vector_load_idx %arg7[%shift_right_logical3A_139] : memref<10000xi32, #tpu.memory_space<vmem>>[vector<16xi32>], vector<16xi32>,
      %gather3A_144 = tpu.vector_load_idx %arg8[%shift_right_logical3A_139] : memref<10000xi32, #tpu.memory_space<vmem>>[vector<16xi32>], vector<16xi32>,
      %gather3A_145 = tpu.vector_load_idx %arg9[%and3A_142] : memref<200xi32, #tpu.memory_space<vmem>>[vector<16xi32>], vector<16xi32>,
      %gather3A_146 = tpu.vector_load_idx %arg10[%and3A_142] : memref<200xi32, #tpu.memory_space<vmem>>[vector<16xi32>], vector<16xi32>,
      %shift_left3A = arith.constant 16 : i32
      %shift_left3A_147 = vector.broadcast %shift_left3A : i32 to vector<16xi32>
      %shift_left3A_148 = arith.shli %scan3A_135#2, %shift_left3A_147 : vector<16xi32>
      %bitcast3A = vector.bitcast %shift_left3A_148 : vector<16xi32> to vector<16xf32>
      %and3A_149 = vector.broadcast %scan3A_93 : i32 to vector<16xi32>
      %and3A_150 = arith.andi %scan3A_135#2, %and3A_149 : vector<16xi32>
      %bitcast3A_151 = vector.bitcast %and3A_150 : vector<16xi32> to vector<16xf32>
      %shift_left3A_152 = arith.constant 16 : i32
      %shift_left3A_153 = vector.broadcast %shift_left3A_152 : i32 to vector<16xi32>
      %shift_left3A_154 = arith.shli %scan3A_135#4, %shift_left3A_153 : vector<16xi32>
      %bitcast3A_155 = vector.bitcast %shift_left3A_154 : vector<16xi32> to vector<16xf32>
      %and3A_156 = vector.broadcast %scan3A_93 : i32 to vector<16xi32>
      %and3A_157 = arith.andi %scan3A_135#4, %and3A_156 : vector<16xi32>
      %bitcast3A_158 = vector.bitcast %and3A_157 : vector<16xi32> to vector<16xf32>
      %sub3A = arith.subf %bitcast3A, %bitcast3A_155 : vector<16xf32>
      tpu.vector_store_idx %arg11[%scan3A_135#6], %sub3A {add = true} : memref<10000xf32, #tpu.memory_space<vmem>>[vector<16xi32>], vector<16xf32>,
      %sub3A_159 = arith.subf %bitcast3A_151, %bitcast3A_158 : vector<16xf32>
      tpu.vector_store_idx %arg12[%scan3A_135#6], %sub3A_159 {add = true} : memref<10000xf32, #tpu.memory_space<vmem>>[vector<16xi32>], vector<16xf32>,
      %shift_left3A_160 = arith.constant 16 : i32
      %shift_left3A_161 = vector.broadcast %shift_left3A_160 : i32 to vector<16xi32>
      %shift_left3A_162 = arith.shli %scan3A_135#3, %shift_left3A_161 : vector<16xi32>
      %bitcast3A_163 = vector.bitcast %shift_left3A_162 : vector<16xi32> to vector<16xf32>
      %and3A_164 = vector.broadcast %scan3A_93 : i32 to vector<16xi32>
      %and3A_165 = arith.andi %scan3A_135#3, %and3A_164 : vector<16xi32>
      %bitcast3A_166 = vector.bitcast %and3A_165 : vector<16xi32> to vector<16xf32>
      %shift_left3A_167 = arith.constant 16 : i32
      %shift_left3A_168 = vector.broadcast %shift_left3A_167 : i32 to vector<16xi32>
      %shift_left3A_169 = arith.shli %scan3A_135#5, %shift_left3A_168 : vector<16xi32>
      %bitcast3A_170 = vector.bitcast %shift_left3A_169 : vector<16xi32> to vector<16xf32>
      %and3A_171 = vector.broadcast %scan3A_93 : i32 to vector<16xi32>
      %and3A_172 = arith.andi %scan3A_135#5, %and3A_171 : vector<16xi32>
      %bitcast3A_173 = vector.bitcast %and3A_172 : vector<16xi32> to vector<16xf32>
      %sub3A_174 = arith.subf %bitcast3A_163, %bitcast3A_170 : vector<16xf32>
      tpu.vector_store_idx %arg13[%scan3A_135#6], %sub3A_174 {add = true} : memref<10000xf32, #tpu.memory_space<vmem>>[vector<16xi32>], vector<16xf32>,
      %sub3A_175 = arith.subf %bitcast3A_166, %bitcast3A_173 : vector<16xf32>
      tpu.vector_store_idx %arg14[%scan3A_135#6], %sub3A_175 {add = true} : memref<10000xf32, #tpu.memory_space<vmem>>[vector<16xi32>], vector<16xf32>,
      %shift_left3A_176 = arith.constant 16 : i32
      %shift_left3A_177 = vector.broadcast %shift_left3A_176 : i32 to vector<16xi32>
      %shift_left3A_178 = arith.shli %gather3A_143, %shift_left3A_177 : vector<16xi32>
      %bitcast3A_179 = vector.bitcast %shift_left3A_178 : vector<16xi32> to vector<16xf32>
      %and3A_180 = vector.broadcast %scan3A_93 : i32 to vector<16xi32>
      %and3A_181 = arith.andi %gather3A_143, %and3A_180 : vector<16xi32>
      %bitcast3A_182 = vector.bitcast %and3A_181 : vector<16xi32> to vector<16xf32>
      %shift_left3A_183 = arith.constant 16 : i32
      %shift_left3A_184 = vector.broadcast %shift_left3A_183 : i32 to vector<16xi32>
      %shift_left3A_185 = arith.shli %gather3A_145, %shift_left3A_184 : vector<16xi32>
      %bitcast3A_186 = vector.bitcast %shift_left3A_185 : vector<16xi32> to vector<16xf32>
      %and3A_187 = vector.broadcast %scan3A_93 : i32 to vector<16xi32>
      %and3A_188 = arith.andi %gather3A_145, %and3A_187 : vector<16xi32>
      %bitcast3A_189 = vector.bitcast %and3A_188 : vector<16xi32> to vector<16xf32>
      %sub3A_190 = arith.subf %bitcast3A_179, %bitcast3A_186 : vector<16xf32>
      tpu.vector_store_idx %arg11[%scan3A_135#1], %sub3A_190 {add = true} : memref<10000xf32, #tpu.memory_space<vmem>>[vector<16xi32>], vector<16xf32>,
      %sub3A_191 = arith.subf %bitcast3A_182, %bitcast3A_189 : vector<16xf32>
      tpu.vector_store_idx %arg12[%scan3A_135#1], %sub3A_191 {add = true} : memref<10000xf32, #tpu.memory_space<vmem>>[vector<16xi32>], vector<16xf32>,
      %shift_left3A_192 = arith.constant 16 : i32
      %shift_left3A_193 = vector.broadcast %shift_left3A_192 : i32 to vector<16xi32>
      %shift_left3A_194 = arith.shli %gather3A_144, %shift_left3A_193 : vector<16xi32>
      %bitcast3A_195 = vector.bitcast %shift_left3A_194 : vector<16xi32> to vector<16xf32>
      %and3A_196 = vector.broadcast %scan3A_93 : i32 to vector<16xi32>
      %and3A_197 = arith.andi %gather3A_144, %and3A_196 : vector<16xi32>
      %bitcast3A_198 = vector.bitcast %and3A_197 : vector<16xi32> to vector<16xf32>
      %shift_left3A_199 = arith.constant 16 : i32
      %shift_left3A_200 = vector.broadcast %shift_left3A_199 : i32 to vector<16xi32>
      %shift_left3A_201 = arith.shli %gather3A_146, %shift_left3A_200 : vector<16xi32>
      %bitcast3A_202 = vector.bitcast %shift_left3A_201 : vector<16xi32> to vector<16xf32>
      %and3A_203 = vector.broadcast %scan3A_93 : i32 to vector<16xi32>
      %and3A_204 = arith.andi %gather3A_146, %and3A_203 : vector<16xi32>
      %bitcast3A_205 = vector.bitcast %and3A_204 : vector<16xi32> to vector<16xf32>
      %sub3A_206 = arith.subf %bitcast3A_195, %bitcast3A_202 : vector<16xf32>
      tpu.vector_store_idx %arg13[%scan3A_135#1], %sub3A_206 {add = true} : memref<10000xf32, #tpu.memory_space<vmem>>[vector<16xi32>], vector<16xf32>,
      %sub3A_207 = arith.subf %bitcast3A_198, %bitcast3A_205 : vector<16xf32>
      tpu.vector_store_idx %arg14[%scan3A_135#1], %sub3A_207 {add = true} : memref<10000xf32, #tpu.memory_space<vmem>>[vector<16xi32>], vector<16xf32>,
      %mul3A_208 = arith.constant 2 : i32
      %mul3A_209 = arith.muli %scan3A_102, %mul3A_208 : i32
      %add3A_210 = arith.constant 1 : i32
      %add3A_211 = arith.addi %mul3A_209, %add3A_210 : i32
      %add3A_212 = arith.constant 1 : i32
      %add3A_213 = arith.addi %add3A_211, %add3A_212 : i32
      %lt3A_214 = arith.constant 80 : i32
      %lt3A_215 = arith.cmpi slt, %add3A_213, %lt3A_214 : i32
      %convert_element_type3A_216 = arith.extui %lt3A_215 : i1 to i32
      %cond3A_217 = arith.constant 0 : i32
      %cond3A_218 = arith.cmpi ne, %convert_element_type3A_216, %cond3A_217 : i32
      scf.if %cond3A_218 {
        %add3A_323 = arith.constant 1 : i32
        %add3A_324 = arith.addi %add3A_211, %add3A_323 : i32
        %mul3A_325 = arith.constant 4000 : i32
        %mul3A_326 = arith.muli %add3A_324, %mul3A_325 : i32
        %dma_start3A_327 = tpu.memref_slice %arg4[%mul3A_326] : memref<320000xi32, #tpu.memory_space<hbm>> -> memref<4000xi32, #tpu.memory_space<hbm>>
        %dma_start3A_328 = tpu.memref_slice %arg4[%mul3A_326] : memref<320000xi32, #tpu.memory_space<hbm>> -> memref<4000xi32, #tpu.memory_space<hbm>>
        tpu.enqueue_dma source(%dma_start3A_328 : memref<4000xi32, #tpu.memory_space<hbm>>) target(%arg15 : memref<4000xi32, #tpu.memory_space<vmem>>) target_semaphore(%arg20 : memref<!tpu.dma_semaphore, #tpu.memory_space<semaphore_mem>>)
        %dma_start3A_329 = tpu.memref_slice %arg5[%mul3A_326] : memref<320000xi32, #tpu.memory_space<hbm>> -> memref<4000xi32, #tpu.memory_space<hbm>>
        %dma_start3A_330 = tpu.memref_slice %arg5[%mul3A_326] : memref<320000xi32, #tpu.memory_space<hbm>> -> memref<4000xi32, #tpu.memory_space<hbm>>
        tpu.enqueue_dma source(%dma_start3A_330 : memref<4000xi32, #tpu.memory_space<hbm>>) target(%arg17 : memref<4000xi32, #tpu.memory_space<vmem>>) target_semaphore(%arg20 : memref<!tpu.dma_semaphore, #tpu.memory_space<semaphore_mem>>)
      } else {
      }
      %mul3A_219 = arith.constant 4000 : i32
      %mul3A_220 = arith.muli %add3A_211, %mul3A_219 : i32
      %dma_wait3A_221 = tpu.memref_slice %arg4[%mul3A_220] : memref<320000xi32, #tpu.memory_space<hbm>> -> memref<4000xi32, #tpu.memory_space<hbm>>
      %dma_wait3A_222 = tpu.memref_slice %arg4[%mul3A_220] : memref<320000xi32, #tpu.memory_space<hbm>> -> memref<4000xi32, #tpu.memory_space<hbm>>
      tpu.wait_dma2 semaphore(%arg21 : memref<!tpu.dma_semaphore, #tpu.memory_space<semaphore_mem>>) src(%dma_wait3A_222 : memref<4000xi32, #tpu.memory_space<hbm>>) dst(%arg16 : memref<4000xi32, #tpu.memory_space<vmem>>)
      %dma_wait3A_223 = tpu.memref_slice %arg5[%mul3A_220] : memref<320000xi32, #tpu.memory_space<hbm>> -> memref<4000xi32, #tpu.memory_space<hbm>>
      %dma_wait3A_224 = tpu.memref_slice %arg5[%mul3A_220] : memref<320000xi32, #tpu.memory_space<hbm>> -> memref<4000xi32, #tpu.memory_space<hbm>>
      tpu.wait_dma2 semaphore(%arg21 : memref<!tpu.dma_semaphore, #tpu.memory_space<semaphore_mem>>) src(%dma_wait3A_224 : memref<4000xi32, #tpu.memory_space<hbm>>) dst(%arg18 : memref<4000xi32, #tpu.memory_space<vmem>>)
      %get3A_225 = arith.constant 0 : index
      %get3A_226 = tpu.vector_load %arg16[%get3A_225] {strides = array<i32>} : memref<4000xi32, #tpu.memory_space<vmem>>, vector<16xi32>,
      %get3A_227 = arith.constant 0 : index
      %get3A_228 = tpu.vector_load %arg18[%get3A_227] {strides = array<i32>} : memref<4000xi32, #tpu.memory_space<vmem>>, vector<16xi32>,
      %get3A_229 = arith.constant 16 : index
      %get3A_230 = tpu.vector_load %arg16[%get3A_229] {strides = array<i32>} : memref<4000xi32, #tpu.memory_space<vmem>>, vector<16xi32>,
      %get3A_231 = arith.constant 16 : index
      %get3A_232 = tpu.vector_load %arg18[%get3A_231] {strides = array<i32>} : memref<4000xi32, #tpu.memory_space<vmem>>, vector<16xi32>,
      %shift_right_logical3A_233 = arith.constant 8 : i32
      %shift_right_logical3A_234 = vector.broadcast %shift_right_logical3A_233 : i32 to vector<16xi32>
      %shift_right_logical3A_235 = arith.shrui %get3A_226, %shift_right_logical3A_234 : vector<16xi32>
      %and3A_236 = arith.constant 255 : i32
      %and3A_237 = vector.broadcast %and3A_236 : i32 to vector<16xi32>
      %and3A_238 = arith.andi %get3A_226, %and3A_237 : vector<16xi32>
      %gather3A_239 = tpu.vector_load_idx %arg7[%shift_right_logical3A_235] : memref<10000xi32, #tpu.memory_space<vmem>>[vector<16xi32>], vector<16xi32>,
      %gather3A_240 = tpu.vector_load_idx %arg8[%shift_right_logical3A_235] : memref<10000xi32, #tpu.memory_space<vmem>>[vector<16xi32>], vector<16xi32>,
      %gather3A_241 = tpu.vector_load_idx %arg9[%and3A_238] : memref<200xi32, #tpu.memory_space<vmem>>[vector<16xi32>], vector<16xi32>,
      %gather3A_242 = tpu.vector_load_idx %arg10[%and3A_238] : memref<200xi32, #tpu.memory_space<vmem>>[vector<16xi32>], vector<16xi32>,
      %scan3A_243 = arith.constant 0 : i32
      %scan3A_244 = arith.constant 248 : i32
      %scan3A_245 = arith.addi %scan3A_243, %scan3A_244 : i32
      %scan3A_246 = arith.constant 8 : i32
      %scan3A_247:7 = scf.for %scan3A_323 = %scan3A_243 to %scan3A_245 step %scan3A_246 iter_args(%scan3A_324 = %get3A_230, %scan3A_325 = %get3A_232, %scan3A_326 = %gather3A_239, %scan3A_327 = %gather3A_240, %scan3A_328 = %gather3A_241, %scan3A_329 = %gather3A_242, %scan3A_330 = %get3A_228) -> (vector<16xi32>, vector<16xi32>, vector<16xi32>, vector<16xi32>, vector<16xi32>, vector<16xi32>, vector<16xi32>)  : i32 {
        %add3A_331 = arith.constant 2 : i32
        %add3A_332 = arith.addi %scan3A_323, %add3A_331 : i32
        %mul3A_333 = arith.constant 16 : i32
        %mul3A_334 = arith.muli %add3A_332, %mul3A_333 : i32
        %get3A_335 = arith.index_cast %mul3A_334 : i32 to index
        %get3A_336 = tpu.vector_load %arg16[%get3A_335] {strides = array<i32>} : memref<4000xi32, #tpu.memory_space<vmem>>, vector<16xi32>,
        %get3A_337 = arith.index_cast %mul3A_334 : i32 to index
        %get3A_338 = tpu.vector_load %arg18[%get3A_337] {strides = array<i32>} : memref<4000xi32, #tpu.memory_space<vmem>>, vector<16xi32>,
        %shift_right_logical3A_339 = arith.constant 8 : i32
        %shift_right_logical3A_340 = vector.broadcast %shift_right_logical3A_339 : i32 to vector<16xi32>
        %shift_right_logical3A_341 = arith.shrui %scan3A_324, %shift_right_logical3A_340 : vector<16xi32>
        %and3A_342 = arith.constant 255 : i32
        %and3A_343 = vector.broadcast %and3A_342 : i32 to vector<16xi32>
        %and3A_344 = arith.andi %scan3A_324, %and3A_343 : vector<16xi32>
        %gather3A_345 = tpu.vector_load_idx %arg7[%shift_right_logical3A_341] : memref<10000xi32, #tpu.memory_space<vmem>>[vector<16xi32>], vector<16xi32>,
        %gather3A_346 = tpu.vector_load_idx %arg8[%shift_right_logical3A_341] : memref<10000xi32, #tpu.memory_space<vmem>>[vector<16xi32>], vector<16xi32>,
        %gather3A_347 = tpu.vector_load_idx %arg9[%and3A_344] : memref<200xi32, #tpu.memory_space<vmem>>[vector<16xi32>], vector<16xi32>,
        %gather3A_348 = tpu.vector_load_idx %arg10[%and3A_344] : memref<200xi32, #tpu.memory_space<vmem>>[vector<16xi32>], vector<16xi32>,
        %shift_left3A_349 = arith.constant 16 : i32
        %shift_left3A_350 = vector.broadcast %shift_left3A_349 : i32 to vector<16xi32>
        %shift_left3A_351 = arith.shli %scan3A_326, %shift_left3A_350 : vector<16xi32>
        %bitcast3A_352 = vector.bitcast %shift_left3A_351 : vector<16xi32> to vector<16xf32>
        %and3A_353 = vector.broadcast %scan3A_93 : i32 to vector<16xi32>
        %and3A_354 = arith.andi %scan3A_326, %and3A_353 : vector<16xi32>
        %bitcast3A_355 = vector.bitcast %and3A_354 : vector<16xi32> to vector<16xf32>
        %shift_left3A_356 = arith.constant 16 : i32
        %shift_left3A_357 = vector.broadcast %shift_left3A_356 : i32 to vector<16xi32>
        %shift_left3A_358 = arith.shli %scan3A_328, %shift_left3A_357 : vector<16xi32>
        %bitcast3A_359 = vector.bitcast %shift_left3A_358 : vector<16xi32> to vector<16xf32>
        %and3A_360 = vector.broadcast %scan3A_93 : i32 to vector<16xi32>
        %and3A_361 = arith.andi %scan3A_328, %and3A_360 : vector<16xi32>
        %bitcast3A_362 = vector.bitcast %and3A_361 : vector<16xi32> to vector<16xf32>
        %sub3A_363 = arith.subf %bitcast3A_352, %bitcast3A_359 : vector<16xf32>
        tpu.vector_store_idx %arg11[%scan3A_330], %sub3A_363 {add = true} : memref<10000xf32, #tpu.memory_space<vmem>>[vector<16xi32>], vector<16xf32>,
        %sub3A_364 = arith.subf %bitcast3A_355, %bitcast3A_362 : vector<16xf32>
        tpu.vector_store_idx %arg12[%scan3A_330], %sub3A_364 {add = true} : memref<10000xf32, #tpu.memory_space<vmem>>[vector<16xi32>], vector<16xf32>,
        %shift_left3A_365 = arith.constant 16 : i32
        %shift_left3A_366 = vector.broadcast %shift_left3A_365 : i32 to vector<16xi32>
        %shift_left3A_367 = arith.shli %scan3A_327, %shift_left3A_366 : vector<16xi32>
        %bitcast3A_368 = vector.bitcast %shift_left3A_367 : vector<16xi32> to vector<16xf32>
        %and3A_369 = vector.broadcast %scan3A_93 : i32 to vector<16xi32>
        %and3A_370 = arith.andi %scan3A_327, %and3A_369 : vector<16xi32>
        %bitcast3A_371 = vector.bitcast %and3A_370 : vector<16xi32> to vector<16xf32>
        %shift_left3A_372 = arith.constant 16 : i32
        %shift_left3A_373 = vector.broadcast %shift_left3A_372 : i32 to vector<16xi32>
        %shift_left3A_374 = arith.shli %scan3A_329, %shift_left3A_373 : vector<16xi32>
        %bitcast3A_375 = vector.bitcast %shift_left3A_374 : vector<16xi32> to vector<16xf32>
        %and3A_376 = vector.broadcast %scan3A_93 : i32 to vector<16xi32>
        %and3A_377 = arith.andi %scan3A_329, %and3A_376 : vector<16xi32>
        %bitcast3A_378 = vector.bitcast %and3A_377 : vector<16xi32> to vector<16xf32>
        %sub3A_379 = arith.subf %bitcast3A_368, %bitcast3A_375 : vector<16xf32>
        tpu.vector_store_idx %arg13[%scan3A_330], %sub3A_379 {add = true} : memref<10000xf32, #tpu.memory_space<vmem>>[vector<16xi32>], vector<16xf32>,
        %sub3A_380 = arith.subf %bitcast3A_371, %bitcast3A_378 : vector<16xf32>
        tpu.vector_store_idx %arg14[%scan3A_330], %sub3A_380 {add = true} : memref<10000xf32, #tpu.memory_space<vmem>>[vector<16xi32>], vector<16xf32>,
        %scan3A_381 = arith.constant 1 : i32
        %scan3A_382 = arith.addi %scan3A_323, %scan3A_381 : i32
        %add3A_383 = arith.constant 2 : i32
        %add3A_384 = arith.addi %scan3A_382, %add3A_383 : i32
        %mul3A_385 = arith.constant 16 : i32
        %mul3A_386 = arith.muli %add3A_384, %mul3A_385 : i32
        %get3A_387 = arith.index_cast %mul3A_386 : i32 to index
        %get3A_388 = tpu.vector_load %arg16[%get3A_387] {strides = array<i32>} : memref<4000xi32, #tpu.memory_space<vmem>>, vector<16xi32>,
        %get3A_389 = arith.index_cast %mul3A_386 : i32 to index
        %get3A_390 = tpu.vector_load %arg18[%get3A_389] {strides = array<i32>} : memref<4000xi32, #tpu.memory_space<vmem>>, vector<16xi32>,
        %shift_right_logical3A_391 = arith.constant 8 : i32
        %shift_right_logical3A_392 = vector.broadcast %shift_right_logical3A_391 : i32 to vector<16xi32>
        %shift_right_logical3A_393 = arith.shrui %get3A_336, %shift_right_logical3A_392 : vector<16xi32>
        %and3A_394 = arith.constant 255 : i32
        %and3A_395 = vector.broadcast %and3A_394 : i32 to vector<16xi32>
        %and3A_396 = arith.andi %get3A_336, %and3A_395 : vector<16xi32>
        %gather3A_397 = tpu.vector_load_idx %arg7[%shift_right_logical3A_393] : memref<10000xi32, #tpu.memory_space<vmem>>[vector<16xi32>], vector<16xi32>,
        %gather3A_398 = tpu.vector_load_idx %arg8[%shift_right_logical3A_393] : memref<10000xi32, #tpu.memory_space<vmem>>[vector<16xi32>], vector<16xi32>,
        %gather3A_399 = tpu.vector_load_idx %arg9[%and3A_396] : memref<200xi32, #tpu.memory_space<vmem>>[vector<16xi32>], vector<16xi32>,
        %gather3A_400 = tpu.vector_load_idx %arg10[%and3A_396] : memref<200xi32, #tpu.memory_space<vmem>>[vector<16xi32>], vector<16xi32>,
        %shift_left3A_401 = arith.constant 16 : i32
        %shift_left3A_402 = vector.broadcast %shift_left3A_401 : i32 to vector<16xi32>
        %shift_left3A_403 = arith.shli %gather3A_345, %shift_left3A_402 : vector<16xi32>
        %bitcast3A_404 = vector.bitcast %shift_left3A_403 : vector<16xi32> to vector<16xf32>
        %and3A_405 = vector.broadcast %scan3A_93 : i32 to vector<16xi32>
        %and3A_406 = arith.andi %gather3A_345, %and3A_405 : vector<16xi32>
        %bitcast3A_407 = vector.bitcast %and3A_406 : vector<16xi32> to vector<16xf32>
        %shift_left3A_408 = arith.constant 16 : i32
        %shift_left3A_409 = vector.broadcast %shift_left3A_408 : i32 to vector<16xi32>
        %shift_left3A_410 = arith.shli %gather3A_347, %shift_left3A_409 : vector<16xi32>
        %bitcast3A_411 = vector.bitcast %shift_left3A_410 : vector<16xi32> to vector<16xf32>
        %and3A_412 = vector.broadcast %scan3A_93 : i32 to vector<16xi32>
        %and3A_413 = arith.andi %gather3A_347, %and3A_412 : vector<16xi32>
        %bitcast3A_414 = vector.bitcast %and3A_413 : vector<16xi32> to vector<16xf32>
        %sub3A_415 = arith.subf %bitcast3A_404, %bitcast3A_411 : vector<16xf32>
        tpu.vector_store_idx %arg11[%scan3A_325], %sub3A_415 {add = true} : memref<10000xf32, #tpu.memory_space<vmem>>[vector<16xi32>], vector<16xf32>,
        %sub3A_416 = arith.subf %bitcast3A_407, %bitcast3A_414 : vector<16xf32>
        tpu.vector_store_idx %arg12[%scan3A_325], %sub3A_416 {add = true} : memref<10000xf32, #tpu.memory_space<vmem>>[vector<16xi32>], vector<16xf32>,
        %shift_left3A_417 = arith.constant 16 : i32
        %shift_left3A_418 = vector.broadcast %shift_left3A_417 : i32 to vector<16xi32>
        %shift_left3A_419 = arith.shli %gather3A_346, %shift_left3A_418 : vector<16xi32>
        %bitcast3A_420 = vector.bitcast %shift_left3A_419 : vector<16xi32> to vector<16xf32>
        %and3A_421 = vector.broadcast %scan3A_93 : i32 to vector<16xi32>
        %and3A_422 = arith.andi %gather3A_346, %and3A_421 : vector<16xi32>
        %bitcast3A_423 = vector.bitcast %and3A_422 : vector<16xi32> to vector<16xf32>
        %shift_left3A_424 = arith.constant 16 : i32
        %shift_left3A_425 = vector.broadcast %shift_left3A_424 : i32 to vector<16xi32>
        %shift_left3A_426 = arith.shli %gather3A_348, %shift_left3A_425 : vector<16xi32>
        %bitcast3A_427 = vector.bitcast %shift_left3A_426 : vector<16xi32> to vector<16xf32>
        %and3A_428 = vector.broadcast %scan3A_93 : i32 to vector<16xi32>
        %and3A_429 = arith.andi %gather3A_348, %and3A_428 : vector<16xi32>
        %bitcast3A_430 = vector.bitcast %and3A_429 : vector<16xi32> to vector<16xf32>
        %sub3A_431 = arith.subf %bitcast3A_420, %bitcast3A_427 : vector<16xf32>
        tpu.vector_store_idx %arg13[%scan3A_325], %sub3A_431 {add = true} : memref<10000xf32, #tpu.memory_space<vmem>>[vector<16xi32>], vector<16xf32>,
        %sub3A_432 = arith.subf %bitcast3A_423, %bitcast3A_430 : vector<16xf32>
        tpu.vector_store_idx %arg14[%scan3A_325], %sub3A_432 {add = true} : memref<10000xf32, #tpu.memory_space<vmem>>[vector<16xi32>], vector<16xf32>,
        %scan3A_433 = arith.constant 2 : i32
        %scan3A_434 = arith.addi %scan3A_323, %scan3A_433 : i32
        %add3A_435 = arith.constant 2 : i32
        %add3A_436 = arith.addi %scan3A_434, %add3A_435 : i32
        %mul3A_437 = arith.constant 16 : i32
        %mul3A_438 = arith.muli %add3A_436, %mul3A_437 : i32
        %get3A_439 = arith.index_cast %mul3A_438 : i32 to index
        %get3A_440 = tpu.vector_load %arg16[%get3A_439] {strides = array<i32>} : memref<4000xi32, #tpu.memory_space<vmem>>, vector<16xi32>,
        %get3A_441 = arith.index_cast %mul3A_438 : i32 to index
        %get3A_442 = tpu.vector_load %arg18[%get3A_441] {strides = array<i32>} : memref<4000xi32, #tpu.memory_space<vmem>>, vector<16xi32>,
        %shift_right_logical3A_443 = arith.constant 8 : i32
        %shift_right_logical3A_444 = vector.broadcast %shift_right_logical3A_443 : i32 to vector<16xi32>
        %shift_right_logical3A_445 = arith.shrui %get3A_388, %shift_right_logical3A_444 : vector<16xi32>
        %and3A_446 = arith.constant 255 : i32
        %and3A_447 = vector.broadcast %and3A_446 : i32 to vector<16xi32>
        %and3A_448 = arith.andi %get3A_388, %and3A_447 : vector<16xi32>
        %gather3A_449 = tpu.vector_load_idx %arg7[%shift_right_logical3A_445] : memref<10000xi32, #tpu.memory_space<vmem>>[vector<16xi32>], vector<16xi32>,
        %gather3A_450 = tpu.vector_load_idx %arg8[%shift_right_logical3A_445] : memref<10000xi32, #tpu.memory_space<vmem>>[vector<16xi32>], vector<16xi32>,
        %gather3A_451 = tpu.vector_load_idx %arg9[%and3A_448] : memref<200xi32, #tpu.memory_space<vmem>>[vector<16xi32>], vector<16xi32>,
        %gather3A_452 = tpu.vector_load_idx %arg10[%and3A_448] : memref<200xi32, #tpu.memory_space<vmem>>[vector<16xi32>], vector<16xi32>,
        %shift_left3A_453 = arith.constant 16 : i32
        %shift_left3A_454 = vector.broadcast %shift_left3A_453 : i32 to vector<16xi32>
        %shift_left3A_455 = arith.shli %gather3A_397, %shift_left3A_454 : vector<16xi32>
        %bitcast3A_456 = vector.bitcast %shift_left3A_455 : vector<16xi32> to vector<16xf32>
        %and3A_457 = vector.broadcast %scan3A_93 : i32 to vector<16xi32>
        %and3A_458 = arith.andi %gather3A_397, %and3A_457 : vector<16xi32>
        %bitcast3A_459 = vector.bitcast %and3A_458 : vector<16xi32> to vector<16xf32>
        %shift_left3A_460 = arith.constant 16 : i32
        %shift_left3A_461 = vector.broadcast %shift_left3A_460 : i32 to vector<16xi32>
        %shift_left3A_462 = arith.shli %gather3A_399, %shift_left3A_461 : vector<16xi32>
        %bitcast3A_463 = vector.bitcast %shift_left3A_462 : vector<16xi32> to vector<16xf32>
        %and3A_464 = vector.broadcast %scan3A_93 : i32 to vector<16xi32>
        %and3A_465 = arith.andi %gather3A_399, %and3A_464 : vector<16xi32>
        %bitcast3A_466 = vector.bitcast %and3A_465 : vector<16xi32> to vector<16xf32>
        %sub3A_467 = arith.subf %bitcast3A_456, %bitcast3A_463 : vector<16xf32>
        tpu.vector_store_idx %arg11[%get3A_338], %sub3A_467 {add = true} : memref<10000xf32, #tpu.memory_space<vmem>>[vector<16xi32>], vector<16xf32>,
        %sub3A_468 = arith.subf %bitcast3A_459, %bitcast3A_466 : vector<16xf32>
        tpu.vector_store_idx %arg12[%get3A_338], %sub3A_468 {add = true} : memref<10000xf32, #tpu.memory_space<vmem>>[vector<16xi32>], vector<16xf32>,
        %shift_left3A_469 = arith.constant 16 : i32
        %shift_left3A_470 = vector.broadcast %shift_left3A_469 : i32 to vector<16xi32>
        %shift_left3A_471 = arith.shli %gather3A_398, %shift_left3A_470 : vector<16xi32>
        %bitcast3A_472 = vector.bitcast %shift_left3A_471 : vector<16xi32> to vector<16xf32>
        %and3A_473 = vector.broadcast %scan3A_93 : i32 to vector<16xi32>
        %and3A_474 = arith.andi %gather3A_398, %and3A_473 : vector<16xi32>
        %bitcast3A_475 = vector.bitcast %and3A_474 : vector<16xi32> to vector<16xf32>
        %shift_left3A_476 = arith.constant 16 : i32
        %shift_left3A_477 = vector.broadcast %shift_left3A_476 : i32 to vector<16xi32>
        %shift_left3A_478 = arith.shli %gather3A_400, %shift_left3A_477 : vector<16xi32>
        %bitcast3A_479 = vector.bitcast %shift_left3A_478 : vector<16xi32> to vector<16xf32>
        %and3A_480 = vector.broadcast %scan3A_93 : i32 to vector<16xi32>
        %and3A_481 = arith.andi %gather3A_400, %and3A_480 : vector<16xi32>
        %bitcast3A_482 = vector.bitcast %and3A_481 : vector<16xi32> to vector<16xf32>
        %sub3A_483 = arith.subf %bitcast3A_472, %bitcast3A_479 : vector<16xf32>
        tpu.vector_store_idx %arg13[%get3A_338], %sub3A_483 {add = true} : memref<10000xf32, #tpu.memory_space<vmem>>[vector<16xi32>], vector<16xf32>,
        %sub3A_484 = arith.subf %bitcast3A_475, %bitcast3A_482 : vector<16xf32>
        tpu.vector_store_idx %arg14[%get3A_338], %sub3A_484 {add = true} : memref<10000xf32, #tpu.memory_space<vmem>>[vector<16xi32>], vector<16xf32>,
        %scan3A_485 = arith.constant 3 : i32
        %scan3A_486 = arith.addi %scan3A_323, %scan3A_485 : i32
        %add3A_487 = arith.constant 2 : i32
        %add3A_488 = arith.addi %scan3A_486, %add3A_487 : i32
        %mul3A_489 = arith.constant 16 : i32
        %mul3A_490 = arith.muli %add3A_488, %mul3A_489 : i32
        %get3A_491 = arith.index_cast %mul3A_490 : i32 to index
        %get3A_492 = tpu.vector_load %arg16[%get3A_491] {strides = array<i32>} : memref<4000xi32, #tpu.memory_space<vmem>>, vector<16xi32>,
        %get3A_493 = arith.index_cast %mul3A_490 : i32 to index
        %get3A_494 = tpu.vector_load %arg18[%get3A_493] {strides = array<i32>} : memref<4000xi32, #tpu.memory_space<vmem>>, vector<16xi32>,
        %shift_right_logical3A_495 = arith.constant 8 : i32
        %shift_right_logical3A_496 = vector.broadcast %shift_right_logical3A_495 : i32 to vector<16xi32>
        %shift_right_logical3A_497 = arith.shrui %get3A_440, %shift_right_logical3A_496 : vector<16xi32>
        %and3A_498 = arith.constant 255 : i32
        %and3A_499 = vector.broadcast %and3A_498 : i32 to vector<16xi32>
        %and3A_500 = arith.andi %get3A_440, %and3A_499 : vector<16xi32>
        %gather3A_501 = tpu.vector_load_idx %arg7[%shift_right_logical3A_497] : memref<10000xi32, #tpu.memory_space<vmem>>[vector<16xi32>], vector<16xi32>,
        %gather3A_502 = tpu.vector_load_idx %arg8[%shift_right_logical3A_497] : memref<10000xi32, #tpu.memory_space<vmem>>[vector<16xi32>], vector<16xi32>,
        %gather3A_503 = tpu.vector_load_idx %arg9[%and3A_500] : memref<200xi32, #tpu.memory_space<vmem>>[vector<16xi32>], vector<16xi32>,
        %gather3A_504 = tpu.vector_load_idx %arg10[%and3A_500] : memref<200xi32, #tpu.memory_space<vmem>>[vector<16xi32>], vector<16xi32>,
        %shift_left3A_505 = arith.constant 16 : i32
        %shift_left3A_506 = vector.broadcast %shift_left3A_505 : i32 to vector<16xi32>
        %shift_left3A_507 = arith.shli %gather3A_449, %shift_left3A_506 : vector<16xi32>
        %bitcast3A_508 = vector.bitcast %shift_left3A_507 : vector<16xi32> to vector<16xf32>
        %and3A_509 = vector.broadcast %scan3A_93 : i32 to vector<16xi32>
        %and3A_510 = arith.andi %gather3A_449, %and3A_509 : vector<16xi32>
        %bitcast3A_511 = vector.bitcast %and3A_510 : vector<16xi32> to vector<16xf32>
        %shift_left3A_512 = arith.constant 16 : i32
        %shift_left3A_513 = vector.broadcast %shift_left3A_512 : i32 to vector<16xi32>
        %shift_left3A_514 = arith.shli %gather3A_451, %shift_left3A_513 : vector<16xi32>
        %bitcast3A_515 = vector.bitcast %shift_left3A_514 : vector<16xi32> to vector<16xf32>
        %and3A_516 = vector.broadcast %scan3A_93 : i32 to vector<16xi32>
        %and3A_517 = arith.andi %gather3A_451, %and3A_516 : vector<16xi32>
        %bitcast3A_518 = vector.bitcast %and3A_517 : vector<16xi32> to vector<16xf32>
        %sub3A_519 = arith.subf %bitcast3A_508, %bitcast3A_515 : vector<16xf32>
        tpu.vector_store_idx %arg11[%get3A_390], %sub3A_519 {add = true} : memref<10000xf32, #tpu.memory_space<vmem>>[vector<16xi32>], vector<16xf32>,
        %sub3A_520 = arith.subf %bitcast3A_511, %bitcast3A_518 : vector<16xf32>
        tpu.vector_store_idx %arg12[%get3A_390], %sub3A_520 {add = true} : memref<10000xf32, #tpu.memory_space<vmem>>[vector<16xi32>], vector<16xf32>,
        %shift_left3A_521 = arith.constant 16 : i32
        %shift_left3A_522 = vector.broadcast %shift_left3A_521 : i32 to vector<16xi32>
        %shift_left3A_523 = arith.shli %gather3A_450, %shift_left3A_522 : vector<16xi32>
        %bitcast3A_524 = vector.bitcast %shift_left3A_523 : vector<16xi32> to vector<16xf32>
        %and3A_525 = vector.broadcast %scan3A_93 : i32 to vector<16xi32>
        %and3A_526 = arith.andi %gather3A_450, %and3A_525 : vector<16xi32>
        %bitcast3A_527 = vector.bitcast %and3A_526 : vector<16xi32> to vector<16xf32>
        %shift_left3A_528 = arith.constant 16 : i32
        %shift_left3A_529 = vector.broadcast %shift_left3A_528 : i32 to vector<16xi32>
        %shift_left3A_530 = arith.shli %gather3A_452, %shift_left3A_529 : vector<16xi32>
        %bitcast3A_531 = vector.bitcast %shift_left3A_530 : vector<16xi32> to vector<16xf32>
        %and3A_532 = vector.broadcast %scan3A_93 : i32 to vector<16xi32>
        %and3A_533 = arith.andi %gather3A_452, %and3A_532 : vector<16xi32>
        %bitcast3A_534 = vector.bitcast %and3A_533 : vector<16xi32> to vector<16xf32>
        %sub3A_535 = arith.subf %bitcast3A_524, %bitcast3A_531 : vector<16xf32>
        tpu.vector_store_idx %arg13[%get3A_390], %sub3A_535 {add = true} : memref<10000xf32, #tpu.memory_space<vmem>>[vector<16xi32>], vector<16xf32>,
        %sub3A_536 = arith.subf %bitcast3A_527, %bitcast3A_534 : vector<16xf32>
        tpu.vector_store_idx %arg14[%get3A_390], %sub3A_536 {add = true} : memref<10000xf32, #tpu.memory_space<vmem>>[vector<16xi32>], vector<16xf32>,
        %scan3A_537 = arith.constant 4 : i32
        %scan3A_538 = arith.addi %scan3A_323, %scan3A_537 : i32
        %add3A_539 = arith.constant 2 : i32
        %add3A_540 = arith.addi %scan3A_538, %add3A_539 : i32
        %mul3A_541 = arith.constant 16 : i32
        %mul3A_542 = arith.muli %add3A_540, %mul3A_541 : i32
        %get3A_543 = arith.index_cast %mul3A_542 : i32 to index
        %get3A_544 = tpu.vector_load %arg16[%get3A_543] {strides = array<i32>} : memref<4000xi32, #tpu.memory_space<vmem>>, vector<16xi32>,
        %get3A_545 = arith.index_cast %mul3A_542 : i32 to index
        %get3A_546 = tpu.vector_load %arg18[%get3A_545] {strides = array<i32>} : memref<4000xi32, #tpu.memory_space<vmem>>, vector<16xi32>,
        %shift_right_logical3A_547 = arith.constant 8 : i32
        %shift_right_logical3A_548 = vector.broadcast %shift_right_logical3A_547 : i32 to vector<16xi32>
        %shift_right_logical3A_549 = arith.shrui %get3A_492, %shift_right_logical3A_548 : vector<16xi32>
        %and3A_550 = arith.constant 255 : i32
        %and3A_551 = vector.broadcast %and3A_550 : i32 to vector<16xi32>
        %and3A_552 = arith.andi %get3A_492, %and3A_551 : vector<16xi32>
        %gather3A_553 = tpu.vector_load_idx %arg7[%shift_right_logical3A_549] : memref<10000xi32, #tpu.memory_space<vmem>>[vector<16xi32>], vector<16xi32>,
        %gather3A_554 = tpu.vector_load_idx %arg8[%shift_right_logical3A_549] : memref<10000xi32, #tpu.memory_space<vmem>>[vector<16xi32>], vector<16xi32>,
        %gather3A_555 = tpu.vector_load_idx %arg9[%and3A_552] : memref<200xi32, #tpu.memory_space<vmem>>[vector<16xi32>], vector<16xi32>,
        %gather3A_556 = tpu.vector_load_idx %arg10[%and3A_552] : memref<200xi32, #tpu.memory_space<vmem>>[vector<16xi32>], vector<16xi32>,
        %shift_left3A_557 = arith.constant 16 : i32
        %shift_left3A_558 = vector.broadcast %shift_left3A_557 : i32 to vector<16xi32>
        %shift_left3A_559 = arith.shli %gather3A_501, %shift_left3A_558 : vector<16xi32>
        %bitcast3A_560 = vector.bitcast %shift_left3A_559 : vector<16xi32> to vector<16xf32>
        %and3A_561 = vector.broadcast %scan3A_93 : i32 to vector<16xi32>
        %and3A_562 = arith.andi %gather3A_501, %and3A_561 : vector<16xi32>
        %bitcast3A_563 = vector.bitcast %and3A_562 : vector<16xi32> to vector<16xf32>
        %shift_left3A_564 = arith.constant 16 : i32
        %shift_left3A_565 = vector.broadcast %shift_left3A_564 : i32 to vector<16xi32>
        %shift_left3A_566 = arith.shli %gather3A_503, %shift_left3A_565 : vector<16xi32>
        %bitcast3A_567 = vector.bitcast %shift_left3A_566 : vector<16xi32> to vector<16xf32>
        %and3A_568 = vector.broadcast %scan3A_93 : i32 to vector<16xi32>
        %and3A_569 = arith.andi %gather3A_503, %and3A_568 : vector<16xi32>
        %bitcast3A_570 = vector.bitcast %and3A_569 : vector<16xi32> to vector<16xf32>
        %sub3A_571 = arith.subf %bitcast3A_560, %bitcast3A_567 : vector<16xf32>
        tpu.vector_store_idx %arg11[%get3A_442], %sub3A_571 {add = true} : memref<10000xf32, #tpu.memory_space<vmem>>[vector<16xi32>], vector<16xf32>,
        %sub3A_572 = arith.subf %bitcast3A_563, %bitcast3A_570 : vector<16xf32>
        tpu.vector_store_idx %arg12[%get3A_442], %sub3A_572 {add = true} : memref<10000xf32, #tpu.memory_space<vmem>>[vector<16xi32>], vector<16xf32>,
        %shift_left3A_573 = arith.constant 16 : i32
        %shift_left3A_574 = vector.broadcast %shift_left3A_573 : i32 to vector<16xi32>
        %shift_left3A_575 = arith.shli %gather3A_502, %shift_left3A_574 : vector<16xi32>
        %bitcast3A_576 = vector.bitcast %shift_left3A_575 : vector<16xi32> to vector<16xf32>
        %and3A_577 = vector.broadcast %scan3A_93 : i32 to vector<16xi32>
        %and3A_578 = arith.andi %gather3A_502, %and3A_577 : vector<16xi32>
        %bitcast3A_579 = vector.bitcast %and3A_578 : vector<16xi32> to vector<16xf32>
        %shift_left3A_580 = arith.constant 16 : i32
        %shift_left3A_581 = vector.broadcast %shift_left3A_580 : i32 to vector<16xi32>
        %shift_left3A_582 = arith.shli %gather3A_504, %shift_left3A_581 : vector<16xi32>
        %bitcast3A_583 = vector.bitcast %shift_left3A_582 : vector<16xi32> to vector<16xf32>
        %and3A_584 = vector.broadcast %scan3A_93 : i32 to vector<16xi32>
        %and3A_585 = arith.andi %gather3A_504, %and3A_584 : vector<16xi32>
        %bitcast3A_586 = vector.bitcast %and3A_585 : vector<16xi32> to vector<16xf32>
        %sub3A_587 = arith.subf %bitcast3A_576, %bitcast3A_583 : vector<16xf32>
        tpu.vector_store_idx %arg13[%get3A_442], %sub3A_587 {add = true} : memref<10000xf32, #tpu.memory_space<vmem>>[vector<16xi32>], vector<16xf32>,
        %sub3A_588 = arith.subf %bitcast3A_579, %bitcast3A_586 : vector<16xf32>
        tpu.vector_store_idx %arg14[%get3A_442], %sub3A_588 {add = true} : memref<10000xf32, #tpu.memory_space<vmem>>[vector<16xi32>], vector<16xf32>,
        %scan3A_589 = arith.constant 5 : i32
        %scan3A_590 = arith.addi %scan3A_323, %scan3A_589 : i32
        %add3A_591 = arith.constant 2 : i32
        %add3A_592 = arith.addi %scan3A_590, %add3A_591 : i32
        %mul3A_593 = arith.constant 16 : i32
        %mul3A_594 = arith.muli %add3A_592, %mul3A_593 : i32
        %get3A_595 = arith.index_cast %mul3A_594 : i32 to index
        %get3A_596 = tpu.vector_load %arg16[%get3A_595] {strides = array<i32>} : memref<4000xi32, #tpu.memory_space<vmem>>, vector<16xi32>,
        %get3A_597 = arith.index_cast %mul3A_594 : i32 to index
        %get3A_598 = tpu.vector_load %arg18[%get3A_597] {strides = array<i32>} : memref<4000xi32, #tpu.memory_space<vmem>>, vector<16xi32>,
        %shift_right_logical3A_599 = arith.constant 8 : i32
        %shift_right_logical3A_600 = vector.broadcast %shift_right_logical3A_599 : i32 to vector<16xi32>
        %shift_right_logical3A_601 = arith.shrui %get3A_544, %shift_right_logical3A_600 : vector<16xi32>
        %and3A_602 = arith.constant 255 : i32
        %and3A_603 = vector.broadcast %and3A_602 : i32 to vector<16xi32>
        %and3A_604 = arith.andi %get3A_544, %and3A_603 : vector<16xi32>
        %gather3A_605 = tpu.vector_load_idx %arg7[%shift_right_logical3A_601] : memref<10000xi32, #tpu.memory_space<vmem>>[vector<16xi32>], vector<16xi32>,
        %gather3A_606 = tpu.vector_load_idx %arg8[%shift_right_logical3A_601] : memref<10000xi32, #tpu.memory_space<vmem>>[vector<16xi32>], vector<16xi32>,
        %gather3A_607 = tpu.vector_load_idx %arg9[%and3A_604] : memref<200xi32, #tpu.memory_space<vmem>>[vector<16xi32>], vector<16xi32>,
        %gather3A_608 = tpu.vector_load_idx %arg10[%and3A_604] : memref<200xi32, #tpu.memory_space<vmem>>[vector<16xi32>], vector<16xi32>,
        %shift_left3A_609 = arith.constant 16 : i32
        %shift_left3A_610 = vector.broadcast %shift_left3A_609 : i32 to vector<16xi32>
        %shift_left3A_611 = arith.shli %gather3A_553, %shift_left3A_610 : vector<16xi32>
        %bitcast3A_612 = vector.bitcast %shift_left3A_611 : vector<16xi32> to vector<16xf32>
        %and3A_613 = vector.broadcast %scan3A_93 : i32 to vector<16xi32>
        %and3A_614 = arith.andi %gather3A_553, %and3A_613 : vector<16xi32>
        %bitcast3A_615 = vector.bitcast %and3A_614 : vector<16xi32> to vector<16xf32>
        %shift_left3A_616 = arith.constant 16 : i32
        %shift_left3A_617 = vector.broadcast %shift_left3A_616 : i32 to vector<16xi32>
        %shift_left3A_618 = arith.shli %gather3A_555, %shift_left3A_617 : vector<16xi32>
        %bitcast3A_619 = vector.bitcast %shift_left3A_618 : vector<16xi32> to vector<16xf32>
        %and3A_620 = vector.broadcast %scan3A_93 : i32 to vector<16xi32>
        %and3A_621 = arith.andi %gather3A_555, %and3A_620 : vector<16xi32>
        %bitcast3A_622 = vector.bitcast %and3A_621 : vector<16xi32> to vector<16xf32>
        %sub3A_623 = arith.subf %bitcast3A_612, %bitcast3A_619 : vector<16xf32>
        tpu.vector_store_idx %arg11[%get3A_494], %sub3A_623 {add = true} : memref<10000xf32, #tpu.memory_space<vmem>>[vector<16xi32>], vector<16xf32>,
        %sub3A_624 = arith.subf %bitcast3A_615, %bitcast3A_622 : vector<16xf32>
        tpu.vector_store_idx %arg12[%get3A_494], %sub3A_624 {add = true} : memref<10000xf32, #tpu.memory_space<vmem>>[vector<16xi32>], vector<16xf32>,
        %shift_left3A_625 = arith.constant 16 : i32
        %shift_left3A_626 = vector.broadcast %shift_left3A_625 : i32 to vector<16xi32>
        %shift_left3A_627 = arith.shli %gather3A_554, %shift_left3A_626 : vector<16xi32>
        %bitcast3A_628 = vector.bitcast %shift_left3A_627 : vector<16xi32> to vector<16xf32>
        %and3A_629 = vector.broadcast %scan3A_93 : i32 to vector<16xi32>
        %and3A_630 = arith.andi %gather3A_554, %and3A_629 : vector<16xi32>
        %bitcast3A_631 = vector.bitcast %and3A_630 : vector<16xi32> to vector<16xf32>
        %shift_left3A_632 = arith.constant 16 : i32
        %shift_left3A_633 = vector.broadcast %shift_left3A_632 : i32 to vector<16xi32>
        %shift_left3A_634 = arith.shli %gather3A_556, %shift_left3A_633 : vector<16xi32>
        %bitcast3A_635 = vector.bitcast %shift_left3A_634 : vector<16xi32> to vector<16xf32>
        %and3A_636 = vector.broadcast %scan3A_93 : i32 to vector<16xi32>
        %and3A_637 = arith.andi %gather3A_556, %and3A_636 : vector<16xi32>
        %bitcast3A_638 = vector.bitcast %and3A_637 : vector<16xi32> to vector<16xf32>
        %sub3A_639 = arith.subf %bitcast3A_628, %bitcast3A_635 : vector<16xf32>
        tpu.vector_store_idx %arg13[%get3A_494], %sub3A_639 {add = true} : memref<10000xf32, #tpu.memory_space<vmem>>[vector<16xi32>], vector<16xf32>,
        %sub3A_640 = arith.subf %bitcast3A_631, %bitcast3A_638 : vector<16xf32>
        tpu.vector_store_idx %arg14[%get3A_494], %sub3A_640 {add = true} : memref<10000xf32, #tpu.memory_space<vmem>>[vector<16xi32>], vector<16xf32>,
        %scan3A_641 = arith.constant 6 : i32
        %scan3A_642 = arith.addi %scan3A_323, %scan3A_641 : i32
        %add3A_643 = arith.constant 2 : i32
        %add3A_644 = arith.addi %scan3A_642, %add3A_643 : i32
        %mul3A_645 = arith.constant 16 : i32
        %mul3A_646 = arith.muli %add3A_644, %mul3A_645 : i32
        %get3A_647 = arith.index_cast %mul3A_646 : i32 to index
        %get3A_648 = tpu.vector_load %arg16[%get3A_647] {strides = array<i32>} : memref<4000xi32, #tpu.memory_space<vmem>>, vector<16xi32>,
        %get3A_649 = arith.index_cast %mul3A_646 : i32 to index
        %get3A_650 = tpu.vector_load %arg18[%get3A_649] {strides = array<i32>} : memref<4000xi32, #tpu.memory_space<vmem>>, vector<16xi32>,
        %shift_right_logical3A_651 = arith.constant 8 : i32
        %shift_right_logical3A_652 = vector.broadcast %shift_right_logical3A_651 : i32 to vector<16xi32>
        %shift_right_logical3A_653 = arith.shrui %get3A_596, %shift_right_logical3A_652 : vector<16xi32>
        %and3A_654 = arith.constant 255 : i32
        %and3A_655 = vector.broadcast %and3A_654 : i32 to vector<16xi32>
        %and3A_656 = arith.andi %get3A_596, %and3A_655 : vector<16xi32>
        %gather3A_657 = tpu.vector_load_idx %arg7[%shift_right_logical3A_653] : memref<10000xi32, #tpu.memory_space<vmem>>[vector<16xi32>], vector<16xi32>,
        %gather3A_658 = tpu.vector_load_idx %arg8[%shift_right_logical3A_653] : memref<10000xi32, #tpu.memory_space<vmem>>[vector<16xi32>], vector<16xi32>,
        %gather3A_659 = tpu.vector_load_idx %arg9[%and3A_656] : memref<200xi32, #tpu.memory_space<vmem>>[vector<16xi32>], vector<16xi32>,
        %gather3A_660 = tpu.vector_load_idx %arg10[%and3A_656] : memref<200xi32, #tpu.memory_space<vmem>>[vector<16xi32>], vector<16xi32>,
        %shift_left3A_661 = arith.constant 16 : i32
        %shift_left3A_662 = vector.broadcast %shift_left3A_661 : i32 to vector<16xi32>
        %shift_left3A_663 = arith.shli %gather3A_605, %shift_left3A_662 : vector<16xi32>
        %bitcast3A_664 = vector.bitcast %shift_left3A_663 : vector<16xi32> to vector<16xf32>
        %and3A_665 = vector.broadcast %scan3A_93 : i32 to vector<16xi32>
        %and3A_666 = arith.andi %gather3A_605, %and3A_665 : vector<16xi32>
        %bitcast3A_667 = vector.bitcast %and3A_666 : vector<16xi32> to vector<16xf32>
        %shift_left3A_668 = arith.constant 16 : i32
        %shift_left3A_669 = vector.broadcast %shift_left3A_668 : i32 to vector<16xi32>
        %shift_left3A_670 = arith.shli %gather3A_607, %shift_left3A_669 : vector<16xi32>
        %bitcast3A_671 = vector.bitcast %shift_left3A_670 : vector<16xi32> to vector<16xf32>
        %and3A_672 = vector.broadcast %scan3A_93 : i32 to vector<16xi32>
        %and3A_673 = arith.andi %gather3A_607, %and3A_672 : vector<16xi32>
        %bitcast3A_674 = vector.bitcast %and3A_673 : vector<16xi32> to vector<16xf32>
        %sub3A_675 = arith.subf %bitcast3A_664, %bitcast3A_671 : vector<16xf32>
        tpu.vector_store_idx %arg11[%get3A_546], %sub3A_675 {add = true} : memref<10000xf32, #tpu.memory_space<vmem>>[vector<16xi32>], vector<16xf32>,
        %sub3A_676 = arith.subf %bitcast3A_667, %bitcast3A_674 : vector<16xf32>
        tpu.vector_store_idx %arg12[%get3A_546], %sub3A_676 {add = true} : memref<10000xf32, #tpu.memory_space<vmem>>[vector<16xi32>], vector<16xf32>,
        %shift_left3A_677 = arith.constant 16 : i32
        %shift_left3A_678 = vector.broadcast %shift_left3A_677 : i32 to vector<16xi32>
        %shift_left3A_679 = arith.shli %gather3A_606, %shift_left3A_678 : vector<16xi32>
        %bitcast3A_680 = vector.bitcast %shift_left3A_679 : vector<16xi32> to vector<16xf32>
        %and3A_681 = vector.broadcast %scan3A_93 : i32 to vector<16xi32>
        %and3A_682 = arith.andi %gather3A_606, %and3A_681 : vector<16xi32>
        %bitcast3A_683 = vector.bitcast %and3A_682 : vector<16xi32> to vector<16xf32>
        %shift_left3A_684 = arith.constant 16 : i32
        %shift_left3A_685 = vector.broadcast %shift_left3A_684 : i32 to vector<16xi32>
        %shift_left3A_686 = arith.shli %gather3A_608, %shift_left3A_685 : vector<16xi32>
        %bitcast3A_687 = vector.bitcast %shift_left3A_686 : vector<16xi32> to vector<16xf32>
        %and3A_688 = vector.broadcast %scan3A_93 : i32 to vector<16xi32>
        %and3A_689 = arith.andi %gather3A_608, %and3A_688 : vector<16xi32>
        %bitcast3A_690 = vector.bitcast %and3A_689 : vector<16xi32> to vector<16xf32>
        %sub3A_691 = arith.subf %bitcast3A_680, %bitcast3A_687 : vector<16xf32>
        tpu.vector_store_idx %arg13[%get3A_546], %sub3A_691 {add = true} : memref<10000xf32, #tpu.memory_space<vmem>>[vector<16xi32>], vector<16xf32>,
        %sub3A_692 = arith.subf %bitcast3A_683, %bitcast3A_690 : vector<16xf32>
        tpu.vector_store_idx %arg14[%get3A_546], %sub3A_692 {add = true} : memref<10000xf32, #tpu.memory_space<vmem>>[vector<16xi32>], vector<16xf32>,
        %scan3A_693 = arith.constant 7 : i32
        %scan3A_694 = arith.addi %scan3A_323, %scan3A_693 : i32
        %add3A_695 = arith.constant 2 : i32
        %add3A_696 = arith.addi %scan3A_694, %add3A_695 : i32
        %mul3A_697 = arith.constant 16 : i32
        %mul3A_698 = arith.muli %add3A_696, %mul3A_697 : i32
        %get3A_699 = arith.index_cast %mul3A_698 : i32 to index
        %get3A_700 = tpu.vector_load %arg16[%get3A_699] {strides = array<i32>} : memref<4000xi32, #tpu.memory_space<vmem>>, vector<16xi32>,
        %get3A_701 = arith.index_cast %mul3A_698 : i32 to index
        %get3A_702 = tpu.vector_load %arg18[%get3A_701] {strides = array<i32>} : memref<4000xi32, #tpu.memory_space<vmem>>, vector<16xi32>,
        %shift_right_logical3A_703 = arith.constant 8 : i32
        %shift_right_logical3A_704 = vector.broadcast %shift_right_logical3A_703 : i32 to vector<16xi32>
        %shift_right_logical3A_705 = arith.shrui %get3A_648, %shift_right_logical3A_704 : vector<16xi32>
        %and3A_706 = arith.constant 255 : i32
        %and3A_707 = vector.broadcast %and3A_706 : i32 to vector<16xi32>
        %and3A_708 = arith.andi %get3A_648, %and3A_707 : vector<16xi32>
        %gather3A_709 = tpu.vector_load_idx %arg7[%shift_right_logical3A_705] : memref<10000xi32, #tpu.memory_space<vmem>>[vector<16xi32>], vector<16xi32>,
        %gather3A_710 = tpu.vector_load_idx %arg8[%shift_right_logical3A_705] : memref<10000xi32, #tpu.memory_space<vmem>>[vector<16xi32>], vector<16xi32>,
        %gather3A_711 = tpu.vector_load_idx %arg9[%and3A_708] : memref<200xi32, #tpu.memory_space<vmem>>[vector<16xi32>], vector<16xi32>,
        %gather3A_712 = tpu.vector_load_idx %arg10[%and3A_708] : memref<200xi32, #tpu.memory_space<vmem>>[vector<16xi32>], vector<16xi32>,
        %shift_left3A_713 = arith.constant 16 : i32
        %shift_left3A_714 = vector.broadcast %shift_left3A_713 : i32 to vector<16xi32>
        %shift_left3A_715 = arith.shli %gather3A_657, %shift_left3A_714 : vector<16xi32>
        %bitcast3A_716 = vector.bitcast %shift_left3A_715 : vector<16xi32> to vector<16xf32>
        %and3A_717 = vector.broadcast %scan3A_93 : i32 to vector<16xi32>
        %and3A_718 = arith.andi %gather3A_657, %and3A_717 : vector<16xi32>
        %bitcast3A_719 = vector.bitcast %and3A_718 : vector<16xi32> to vector<16xf32>
        %shift_left3A_720 = arith.constant 16 : i32
        %shift_left3A_721 = vector.broadcast %shift_left3A_720 : i32 to vector<16xi32>
        %shift_left3A_722 = arith.shli %gather3A_659, %shift_left3A_721 : vector<16xi32>
        %bitcast3A_723 = vector.bitcast %shift_left3A_722 : vector<16xi32> to vector<16xf32>
        %and3A_724 = vector.broadcast %scan3A_93 : i32 to vector<16xi32>
        %and3A_725 = arith.andi %gather3A_659, %and3A_724 : vector<16xi32>
        %bitcast3A_726 = vector.bitcast %and3A_725 : vector<16xi32> to vector<16xf32>
        %sub3A_727 = arith.subf %bitcast3A_716, %bitcast3A_723 : vector<16xf32>
        tpu.vector_store_idx %arg11[%get3A_598], %sub3A_727 {add = true} : memref<10000xf32, #tpu.memory_space<vmem>>[vector<16xi32>], vector<16xf32>,
        %sub3A_728 = arith.subf %bitcast3A_719, %bitcast3A_726 : vector<16xf32>
        tpu.vector_store_idx %arg12[%get3A_598], %sub3A_728 {add = true} : memref<10000xf32, #tpu.memory_space<vmem>>[vector<16xi32>], vector<16xf32>,
        %shift_left3A_729 = arith.constant 16 : i32
        %shift_left3A_730 = vector.broadcast %shift_left3A_729 : i32 to vector<16xi32>
        %shift_left3A_731 = arith.shli %gather3A_658, %shift_left3A_730 : vector<16xi32>
        %bitcast3A_732 = vector.bitcast %shift_left3A_731 : vector<16xi32> to vector<16xf32>
        %and3A_733 = vector.broadcast %scan3A_93 : i32 to vector<16xi32>
        %and3A_734 = arith.andi %gather3A_658, %and3A_733 : vector<16xi32>
        %bitcast3A_735 = vector.bitcast %and3A_734 : vector<16xi32> to vector<16xf32>
        %shift_left3A_736 = arith.constant 16 : i32
        %shift_left3A_737 = vector.broadcast %shift_left3A_736 : i32 to vector<16xi32>
        %shift_left3A_738 = arith.shli %gather3A_660, %shift_left3A_737 : vector<16xi32>
        %bitcast3A_739 = vector.bitcast %shift_left3A_738 : vector<16xi32> to vector<16xf32>
        %and3A_740 = vector.broadcast %scan3A_93 : i32 to vector<16xi32>
        %and3A_741 = arith.andi %gather3A_660, %and3A_740 : vector<16xi32>
        %bitcast3A_742 = vector.bitcast %and3A_741 : vector<16xi32> to vector<16xf32>
        %sub3A_743 = arith.subf %bitcast3A_732, %bitcast3A_739 : vector<16xf32>
        tpu.vector_store_idx %arg13[%get3A_598], %sub3A_743 {add = true} : memref<10000xf32, #tpu.memory_space<vmem>>[vector<16xi32>], vector<16xf32>,
        %sub3A_744 = arith.subf %bitcast3A_735, %bitcast3A_742 : vector<16xf32>
        tpu.vector_store_idx %arg14[%get3A_598], %sub3A_744 {add = true} : memref<10000xf32, #tpu.memory_space<vmem>>[vector<16xi32>], vector<16xf32>,
        scf.yield %get3A_700, %get3A_702, %gather3A_709, %gather3A_710, %gather3A_711, %gather3A_712, %get3A_650 : vector<16xi32>, vector<16xi32>, vector<16xi32>, vector<16xi32>, vector<16xi32>, vector<16xi32>, vector<16xi32>
      }
      %scan3A_248 = arith.constant 248 : i32
      %shift_right_logical3A_249 = arith.constant 8 : i32
      %shift_right_logical3A_250 = vector.broadcast %shift_right_logical3A_249 : i32 to vector<16xi32>
      %shift_right_logical3A_251 = arith.shrui %scan3A_247#0, %shift_right_logical3A_250 : vector<16xi32>
      %and3A_252 = arith.constant 255 : i32
      %and3A_253 = vector.broadcast %and3A_252 : i32 to vector<16xi32>
      %and3A_254 = arith.andi %scan3A_247#0, %and3A_253 : vector<16xi32>
      %gather3A_255 = tpu.vector_load_idx %arg7[%shift_right_logical3A_251] : memref<10000xi32, #tpu.memory_space<vmem>>[vector<16xi32>], vector<16xi32>,
      %gather3A_256 = tpu.vector_load_idx %arg8[%shift_right_logical3A_251] : memref<10000xi32, #tpu.memory_space<vmem>>[vector<16xi32>], vector<16xi32>,
      %gather3A_257 = tpu.vector_load_idx %arg9[%and3A_254] : memref<200xi32, #tpu.memory_space<vmem>>[vector<16xi32>], vector<16xi32>,
      %gather3A_258 = tpu.vector_load_idx %arg10[%and3A_254] : memref<200xi32, #tpu.memory_space<vmem>>[vector<16xi32>], vector<16xi32>,
      %shift_left3A_259 = arith.constant 16 : i32
      %shift_left3A_260 = vector.broadcast %shift_left3A_259 : i32 to vector<16xi32>
      %shift_left3A_261 = arith.shli %scan3A_247#2, %shift_left3A_260 : vector<16xi32>
      %bitcast3A_262 = vector.bitcast %shift_left3A_261 : vector<16xi32> to vector<16xf32>
      %and3A_263 = vector.broadcast %scan3A_93 : i32 to vector<16xi32>
      %and3A_264 = arith.andi %scan3A_247#2, %and3A_263 : vector<16xi32>
      %bitcast3A_265 = vector.bitcast %and3A_264 : vector<16xi32> to vector<16xf32>
      %shift_left3A_266 = arith.constant 16 : i32
      %shift_left3A_267 = vector.broadcast %shift_left3A_266 : i32 to vector<16xi32>
      %shift_left3A_268 = arith.shli %scan3A_247#4, %shift_left3A_267 : vector<16xi32>
      %bitcast3A_269 = vector.bitcast %shift_left3A_268 : vector<16xi32> to vector<16xf32>
      %and3A_270 = vector.broadcast %scan3A_93 : i32 to vector<16xi32>
      %and3A_271 = arith.andi %scan3A_247#4, %and3A_270 : vector<16xi32>
      %bitcast3A_272 = vector.bitcast %and3A_271 : vector<16xi32> to vector<16xf32>
      %sub3A_273 = arith.subf %bitcast3A_262, %bitcast3A_269 : vector<16xf32>
      tpu.vector_store_idx %arg11[%scan3A_247#6], %sub3A_273 {add = true} : memref<10000xf32, #tpu.memory_space<vmem>>[vector<16xi32>], vector<16xf32>,
      %sub3A_274 = arith.subf %bitcast3A_265, %bitcast3A_272 : vector<16xf32>
      tpu.vector_store_idx %arg12[%scan3A_247#6], %sub3A_274 {add = true} : memref<10000xf32, #tpu.memory_space<vmem>>[vector<16xi32>], vector<16xf32>,
      %shift_left3A_275 = arith.constant 16 : i32
      %shift_left3A_276 = vector.broadcast %shift_left3A_275 : i32 to vector<16xi32>
      %shift_left3A_277 = arith.shli %scan3A_247#3, %shift_left3A_276 : vector<16xi32>
      %bitcast3A_278 = vector.bitcast %shift_left3A_277 : vector<16xi32> to vector<16xf32>
      %and3A_279 = vector.broadcast %scan3A_93 : i32 to vector<16xi32>
      %and3A_280 = arith.andi %scan3A_247#3, %and3A_279 : vector<16xi32>
      %bitcast3A_281 = vector.bitcast %and3A_280 : vector<16xi32> to vector<16xf32>
      %shift_left3A_282 = arith.constant 16 : i32
      %shift_left3A_283 = vector.broadcast %shift_left3A_282 : i32 to vector<16xi32>
      %shift_left3A_284 = arith.shli %scan3A_247#5, %shift_left3A_283 : vector<16xi32>
      %bitcast3A_285 = vector.bitcast %shift_left3A_284 : vector<16xi32> to vector<16xf32>
      %and3A_286 = vector.broadcast %scan3A_93 : i32 to vector<16xi32>
      %and3A_287 = arith.andi %scan3A_247#5, %and3A_286 : vector<16xi32>
      %bitcast3A_288 = vector.bitcast %and3A_287 : vector<16xi32> to vector<16xf32>
      %sub3A_289 = arith.subf %bitcast3A_278, %bitcast3A_285 : vector<16xf32>
      tpu.vector_store_idx %arg13[%scan3A_247#6], %sub3A_289 {add = true} : memref<10000xf32, #tpu.memory_space<vmem>>[vector<16xi32>], vector<16xf32>,
      %sub3A_290 = arith.subf %bitcast3A_281, %bitcast3A_288 : vector<16xf32>
      tpu.vector_store_idx %arg14[%scan3A_247#6], %sub3A_290 {add = true} : memref<10000xf32, #tpu.memory_space<vmem>>[vector<16xi32>], vector<16xf32>,
      %shift_left3A_291 = arith.constant 16 : i32
      %shift_left3A_292 = vector.broadcast %shift_left3A_291 : i32 to vector<16xi32>
      %shift_left3A_293 = arith.shli %gather3A_255, %shift_left3A_292 : vector<16xi32>
      %bitcast3A_294 = vector.bitcast %shift_left3A_293 : vector<16xi32> to vector<16xf32>
      %and3A_295 = vector.broadcast %scan3A_93 : i32 to vector<16xi32>
      %and3A_296 = arith.andi %gather3A_255, %and3A_295 : vector<16xi32>
      %bitcast3A_297 = vector.bitcast %and3A_296 : vector<16xi32> to vector<16xf32>
      %shift_left3A_298 = arith.constant 16 : i32
      %shift_left3A_299 = vector.broadcast %shift_left3A_298 : i32 to vector<16xi32>
      %shift_left3A_300 = arith.shli %gather3A_257, %shift_left3A_299 : vector<16xi32>
      %bitcast3A_301 = vector.bitcast %shift_left3A_300 : vector<16xi32> to vector<16xf32>
      %and3A_302 = vector.broadcast %scan3A_93 : i32 to vector<16xi32>
      %and3A_303 = arith.andi %gather3A_257, %and3A_302 : vector<16xi32>
      %bitcast3A_304 = vector.bitcast %and3A_303 : vector<16xi32> to vector<16xf32>
      %sub3A_305 = arith.subf %bitcast3A_294, %bitcast3A_301 : vector<16xf32>
      tpu.vector_store_idx %arg11[%scan3A_247#1], %sub3A_305 {add = true} : memref<10000xf32, #tpu.memory_space<vmem>>[vector<16xi32>], vector<16xf32>,
      %sub3A_306 = arith.subf %bitcast3A_297, %bitcast3A_304 : vector<16xf32>
      tpu.vector_store_idx %arg12[%scan3A_247#1], %sub3A_306 {add = true} : memref<10000xf32, #tpu.memory_space<vmem>>[vector<16xi32>], vector<16xf32>,
      %shift_left3A_307 = arith.constant 16 : i32
      %shift_left3A_308 = vector.broadcast %shift_left3A_307 : i32 to vector<16xi32>
      %shift_left3A_309 = arith.shli %gather3A_256, %shift_left3A_308 : vector<16xi32>
      %bitcast3A_310 = vector.bitcast %shift_left3A_309 : vector<16xi32> to vector<16xf32>
      %and3A_311 = vector.broadcast %scan3A_93 : i32 to vector<16xi32>
      %and3A_312 = arith.andi %gather3A_256, %and3A_311 : vector<16xi32>
      %bitcast3A_313 = vector.bitcast %and3A_312 : vector<16xi32> to vector<16xf32>
      %shift_left3A_314 = arith.constant 16 : i32
      %shift_left3A_315 = vector.broadcast %shift_left3A_314 : i32 to vector<16xi32>
      %shift_left3A_316 = arith.shli %gather3A_258, %shift_left3A_315 : vector<16xi32>
      %bitcast3A_317 = vector.bitcast %shift_left3A_316 : vector<16xi32> to vector<16xf32>
      %and3A_318 = vector.broadcast %scan3A_93 : i32 to vector<16xi32>
      %and3A_319 = arith.andi %gather3A_258, %and3A_318 : vector<16xi32>
      %bitcast3A_320 = vector.bitcast %and3A_319 : vector<16xi32> to vector<16xf32>
      %sub3A_321 = arith.subf %bitcast3A_310, %bitcast3A_317 : vector<16xf32>
      tpu.vector_store_idx %arg13[%scan3A_247#1], %sub3A_321 {add = true} : memref<10000xf32, #tpu.memory_space<vmem>>[vector<16xi32>], vector<16xf32>,
      %sub3A_322 = arith.subf %bitcast3A_313, %bitcast3A_320 : vector<16xf32>
      tpu.vector_store_idx %arg14[%scan3A_247#1], %sub3A_322 {add = true} : memref<10000xf32, #tpu.memory_space<vmem>>[vector<16xi32>], vector<16xf32>,
    }
    %scan3A_98 = arith.constant 40 : i32
    %run_scoped3A = arith.constant 0 : i32
    "tpu.region"() ({
      %run_scoped3A_102 = tpu.sem_alloc : memref<!tpu.dma_semaphore, #tpu.memory_space<semaphore_mem>>
      %dma_start3A_103 = arith.constant 0 : i32
      %dma_start3A_104 = tpu.memref_slice %arg6[%add3A, %run_scoped3A, %dma_start3A_103] : memref<32x4x10000xf32, #tpu.memory_space<hbm>> -> memref<1x1x10000xf32, #tpu.memory_space<hbm>>
      %dma_start3A_105 = tpu.memref_squeeze %dma_start3A_104 : memref<1x1x10000xf32, #tpu.memory_space<hbm>> -> memref<10000xf32, #tpu.memory_space<hbm>>
      %dma_start3A_106 = arith.constant 0 : i32
      %dma_start3A_107 = tpu.memref_slice %arg6[%add3A, %run_scoped3A, %dma_start3A_106] : memref<32x4x10000xf32, #tpu.memory_space<hbm>> -> memref<1x1x10000xf32, #tpu.memory_space<hbm>>
      %dma_start3A_108 = tpu.memref_squeeze %dma_start3A_107 : memref<1x1x10000xf32, #tpu.memory_space<hbm>> -> memref<10000xf32, #tpu.memory_space<hbm>>
      tpu.enqueue_dma source(%arg11 : memref<10000xf32, #tpu.memory_space<vmem>>) target(%dma_start3A_108 : memref<10000xf32, #tpu.memory_space<hbm>>) target_semaphore(%run_scoped3A_102 : memref<!tpu.dma_semaphore, #tpu.memory_space<semaphore_mem>>)
      %dma_wait3A_109 = arith.constant 0 : i32
      %dma_wait3A_110 = tpu.memref_slice %arg6[%add3A, %run_scoped3A, %dma_wait3A_109] : memref<32x4x10000xf32, #tpu.memory_space<hbm>> -> memref<1x1x10000xf32, #tpu.memory_space<hbm>>
      %dma_wait3A_111 = tpu.memref_squeeze %dma_wait3A_110 : memref<1x1x10000xf32, #tpu.memory_space<hbm>> -> memref<10000xf32, #tpu.memory_space<hbm>>
      %dma_wait3A_112 = arith.constant 0 : i32
      %dma_wait3A_113 = tpu.memref_slice %arg6[%add3A, %run_scoped3A, %dma_wait3A_112] : memref<32x4x10000xf32, #tpu.memory_space<hbm>> -> memref<1x1x10000xf32, #tpu.memory_space<hbm>>
      %dma_wait3A_114 = tpu.memref_squeeze %dma_wait3A_113 : memref<1x1x10000xf32, #tpu.memory_space<hbm>> -> memref<10000xf32, #tpu.memory_space<hbm>>
      tpu.wait_dma2 semaphore(%run_scoped3A_102 : memref<!tpu.dma_semaphore, #tpu.memory_space<semaphore_mem>>) src(%arg11 : memref<10000xf32, #tpu.memory_space<vmem>>) dst(%dma_wait3A_114 : memref<10000xf32, #tpu.memory_space<hbm>>)
      tpu.yield
    }) : () -> ()
    %run_scoped3A_99 = arith.constant 1 : i32
    "tpu.region"() ({
      %run_scoped3A_102 = tpu.sem_alloc : memref<!tpu.dma_semaphore, #tpu.memory_space<semaphore_mem>>
      %dma_start3A_103 = arith.constant 0 : i32
      %dma_start3A_104 = tpu.memref_slice %arg6[%add3A, %run_scoped3A_99, %dma_start3A_103] : memref<32x4x10000xf32, #tpu.memory_space<hbm>> -> memref<1x1x10000xf32, #tpu.memory_space<hbm>>
      %dma_start3A_105 = tpu.memref_squeeze %dma_start3A_104 : memref<1x1x10000xf32, #tpu.memory_space<hbm>> -> memref<10000xf32, #tpu.memory_space<hbm>>
      %dma_start3A_106 = arith.constant 0 : i32
      %dma_start3A_107 = tpu.memref_slice %arg6[%add3A, %run_scoped3A_99, %dma_start3A_106] : memref<32x4x10000xf32, #tpu.memory_space<hbm>> -> memref<1x1x10000xf32, #tpu.memory_space<hbm>>
      %dma_start3A_108 = tpu.memref_squeeze %dma_start3A_107 : memref<1x1x10000xf32, #tpu.memory_space<hbm>> -> memref<10000xf32, #tpu.memory_space<hbm>>
      tpu.enqueue_dma source(%arg12 : memref<10000xf32, #tpu.memory_space<vmem>>) target(%dma_start3A_108 : memref<10000xf32, #tpu.memory_space<hbm>>) target_semaphore(%run_scoped3A_102 : memref<!tpu.dma_semaphore, #tpu.memory_space<semaphore_mem>>)
      %dma_wait3A_109 = arith.constant 0 : i32
      %dma_wait3A_110 = tpu.memref_slice %arg6[%add3A, %run_scoped3A_99, %dma_wait3A_109] : memref<32x4x10000xf32, #tpu.memory_space<hbm>> -> memref<1x1x10000xf32, #tpu.memory_space<hbm>>
      %dma_wait3A_111 = tpu.memref_squeeze %dma_wait3A_110 : memref<1x1x10000xf32, #tpu.memory_space<hbm>> -> memref<10000xf32, #tpu.memory_space<hbm>>
      %dma_wait3A_112 = arith.constant 0 : i32
      %dma_wait3A_113 = tpu.memref_slice %arg6[%add3A, %run_scoped3A_99, %dma_wait3A_112] : memref<32x4x10000xf32, #tpu.memory_space<hbm>> -> memref<1x1x10000xf32, #tpu.memory_space<hbm>>
      %dma_wait3A_114 = tpu.memref_squeeze %dma_wait3A_113 : memref<1x1x10000xf32, #tpu.memory_space<hbm>> -> memref<10000xf32, #tpu.memory_space<hbm>>
      tpu.wait_dma2 semaphore(%run_scoped3A_102 : memref<!tpu.dma_semaphore, #tpu.memory_space<semaphore_mem>>) src(%arg12 : memref<10000xf32, #tpu.memory_space<vmem>>) dst(%dma_wait3A_114 : memref<10000xf32, #tpu.memory_space<hbm>>)
      tpu.yield
    }) : () -> ()
    %run_scoped3A_100 = arith.constant 2 : i32
    "tpu.region"() ({
      %run_scoped3A_102 = tpu.sem_alloc : memref<!tpu.dma_semaphore, #tpu.memory_space<semaphore_mem>>
      %dma_start3A_103 = arith.constant 0 : i32
      %dma_start3A_104 = tpu.memref_slice %arg6[%add3A, %run_scoped3A_100, %dma_start3A_103] : memref<32x4x10000xf32, #tpu.memory_space<hbm>> -> memref<1x1x10000xf32, #tpu.memory_space<hbm>>
      %dma_start3A_105 = tpu.memref_squeeze %dma_start3A_104 : memref<1x1x10000xf32, #tpu.memory_space<hbm>> -> memref<10000xf32, #tpu.memory_space<hbm>>
      %dma_start3A_106 = arith.constant 0 : i32
      %dma_start3A_107 = tpu.memref_slice %arg6[%add3A, %run_scoped3A_100, %dma_start3A_106] : memref<32x4x10000xf32, #tpu.memory_space<hbm>> -> memref<1x1x10000xf32, #tpu.memory_space<hbm>>
      %dma_start3A_108 = tpu.memref_squeeze %dma_start3A_107 : memref<1x1x10000xf32, #tpu.memory_space<hbm>> -> memref<10000xf32, #tpu.memory_space<hbm>>
      tpu.enqueue_dma source(%arg13 : memref<10000xf32, #tpu.memory_space<vmem>>) target(%dma_start3A_108 : memref<10000xf32, #tpu.memory_space<hbm>>) target_semaphore(%run_scoped3A_102 : memref<!tpu.dma_semaphore, #tpu.memory_space<semaphore_mem>>)
      %dma_wait3A_109 = arith.constant 0 : i32
      %dma_wait3A_110 = tpu.memref_slice %arg6[%add3A, %run_scoped3A_100, %dma_wait3A_109] : memref<32x4x10000xf32, #tpu.memory_space<hbm>> -> memref<1x1x10000xf32, #tpu.memory_space<hbm>>
      %dma_wait3A_111 = tpu.memref_squeeze %dma_wait3A_110 : memref<1x1x10000xf32, #tpu.memory_space<hbm>> -> memref<10000xf32, #tpu.memory_space<hbm>>
      %dma_wait3A_112 = arith.constant 0 : i32
      %dma_wait3A_113 = tpu.memref_slice %arg6[%add3A, %run_scoped3A_100, %dma_wait3A_112] : memref<32x4x10000xf32, #tpu.memory_space<hbm>> -> memref<1x1x10000xf32, #tpu.memory_space<hbm>>
      %dma_wait3A_114 = tpu.memref_squeeze %dma_wait3A_113 : memref<1x1x10000xf32, #tpu.memory_space<hbm>> -> memref<10000xf32, #tpu.memory_space<hbm>>
      tpu.wait_dma2 semaphore(%run_scoped3A_102 : memref<!tpu.dma_semaphore, #tpu.memory_space<semaphore_mem>>) src(%arg13 : memref<10000xf32, #tpu.memory_space<vmem>>) dst(%dma_wait3A_114 : memref<10000xf32, #tpu.memory_space<hbm>>)
      tpu.yield
    }) : () -> ()
    %run_scoped3A_101 = arith.constant 3 : i32
    "tpu.region"() ({
      %run_scoped3A_102 = tpu.sem_alloc : memref<!tpu.dma_semaphore, #tpu.memory_space<semaphore_mem>>
      %dma_start3A_103 = arith.constant 0 : i32
      %dma_start3A_104 = tpu.memref_slice %arg6[%add3A, %run_scoped3A_101, %dma_start3A_103] : memref<32x4x10000xf32, #tpu.memory_space<hbm>> -> memref<1x1x10000xf32, #tpu.memory_space<hbm>>
      %dma_start3A_105 = tpu.memref_squeeze %dma_start3A_104 : memref<1x1x10000xf32, #tpu.memory_space<hbm>> -> memref<10000xf32, #tpu.memory_space<hbm>>
      %dma_start3A_106 = arith.constant 0 : i32
      %dma_start3A_107 = tpu.memref_slice %arg6[%add3A, %run_scoped3A_101, %dma_start3A_106] : memref<32x4x10000xf32, #tpu.memory_space<hbm>> -> memref<1x1x10000xf32, #tpu.memory_space<hbm>>
      %dma_start3A_108 = tpu.memref_squeeze %dma_start3A_107 : memref<1x1x10000xf32, #tpu.memory_space<hbm>> -> memref<10000xf32, #tpu.memory_space<hbm>>
      tpu.enqueue_dma source(%arg14 : memref<10000xf32, #tpu.memory_space<vmem>>) target(%dma_start3A_108 : memref<10000xf32, #tpu.memory_space<hbm>>) target_semaphore(%run_scoped3A_102 : memref<!tpu.dma_semaphore, #tpu.memory_space<semaphore_mem>>)
      %dma_wait3A_109 = arith.constant 0 : i32
      %dma_wait3A_110 = tpu.memref_slice %arg6[%add3A, %run_scoped3A_101, %dma_wait3A_109] : memref<32x4x10000xf32, #tpu.memory_space<hbm>> -> memref<1x1x10000xf32, #tpu.memory_space<hbm>>
      %dma_wait3A_111 = tpu.memref_squeeze %dma_wait3A_110 : memref<1x1x10000xf32, #tpu.memory_space<hbm>> -> memref<10000xf32, #tpu.memory_space<hbm>>
      %dma_wait3A_112 = arith.constant 0 : i32
      %dma_wait3A_113 = tpu.memref_slice %arg6[%add3A, %run_scoped3A_101, %dma_wait3A_112] : memref<32x4x10000xf32, #tpu.memory_space<hbm>> -> memref<1x1x10000xf32, #tpu.memory_space<hbm>>
      %dma_wait3A_114 = tpu.memref_squeeze %dma_wait3A_113 : memref<1x1x10000xf32, #tpu.memory_space<hbm>> -> memref<10000xf32, #tpu.memory_space<hbm>>
      tpu.wait_dma2 semaphore(%run_scoped3A_102 : memref<!tpu.dma_semaphore, #tpu.memory_space<semaphore_mem>>) src(%arg14 : memref<10000xf32, #tpu.memory_space<vmem>>) dst(%dma_wait3A_114 : memref<10000xf32, #tpu.memory_space<hbm>>)
      tpu.yield
    }) : () -> ()
    return
  }
}

module attributes {stable_mosaic.version = 14 : i64} {
  func.func @body(%arg0: i32, %arg1: memref<2000x128xf32, #tpu.memory_space<vmem>>, %arg2: memref<128x128xf32, #tpu.memory_space<vmem>>, %arg3: memref<2000x1xf32, #tpu.memory_space<vmem>>, %arg4: memref<2000x128xf32, #tpu.memory_space<vmem>>) attributes {dimension_semantics = [#tpu.dimension_semantics<arbitrary>], iteration_bounds = array<i64: 5>, scalar_prefetch = 0 : i64, scratch_operands = 0 : i64, tpu.core_type = #tpu.core_type<tc>, window_params = [{transform_indices = @transform_0, window_bounds = array<i64: 2000, 128>}, {pipeline_mode = #tpu.pipeline_mode<synchronous>, transform_indices = @transform_1, window_bounds = array<i64: 128, 128>}, {transform_indices = @transform_2, window_bounds = array<i64: 2000, 1>}, {transform_indices = @transform_3, window_bounds = array<i64: 2000, 128>}]} {
    %get3A = arith.constant 0 : index
    %get3A_0 = arith.constant 0 : index
    %get3A_1 = vector.load %arg1[%get3A, %get3A_0] : memref<2000x128xf32, #tpu.memory_space<vmem>>, vector<2000x128xf32>
    %get3A_2 = arith.constant 0 : index
    %get3A_3 = arith.constant 0 : index
    %get3A_4 = vector.load %arg2[%get3A_2, %get3A_3] : memref<128x128xf32, #tpu.memory_space<vmem>>, vector<128x128xf32>
    %dot_general3A = arith.constant dense<0.000000e+00> : vector<2000x128xf32>
    %dot_general3A_5 = tpu.matmul %get3A_1, %get3A_4, %dot_general3A {dimension_numbers = #tpu.dot_dimension_numbers<[1], [0], [0], [1], [0, 0, 1, 1], [], []>, transpose_lhs_hint = false} : vector<2000x128xf32>, vector<128x128xf32>, vector<2000x128xf32> -> vector<2000x128xf32>
    %get3A_6 = arith.constant 0 : index
    %get3A_7 = arith.constant 0 : index
    %get3A_8 = vector.load %arg3[%get3A_6, %get3A_7] : memref<2000x1xf32, #tpu.memory_space<vmem>>, vector<2000x1xf32>
    %mul3A = vector.broadcast %get3A_8 : vector<2000x1xf32> to vector<2000x128xf32>
    %mul3A_9 = arith.mulf %dot_general3A_5, %mul3A : vector<2000x128xf32>
    %swap3A = arith.constant 0 : index
    %swap3A_10 = arith.constant 0 : index
    %swap3A_11 = vector.load %arg4[%swap3A, %swap3A_10] : memref<2000x128xf32, #tpu.memory_space<vmem>>, vector<2000x128xf32>
    tpu.vector_store %arg4[%swap3A, %swap3A_10], %mul3A_9 {strides = array<i32>} : memref<2000x128xf32, #tpu.memory_space<vmem>>, vector<2000x128xf32>,
    return
  }
  func.func @transform_0(%arg0: i32) -> (i32, i32) {
    %c0_i32 = arith.constant 0 : i32
    %c0_i32_0 = arith.constant 0 : i32
    return %arg0, %c0_i32 : i32, i32
  }
  func.func @transform_1(%arg0: i32) -> (i32, i32) {
    %c0_i32 = arith.constant 0 : i32
    %c0_i32_0 = arith.constant 0 : i32
    %c0_i32_1 = arith.constant 0 : i32
    return %c0_i32, %c0_i32_0 : i32, i32
  }
  func.func @transform_2(%arg0: i32) -> (i32, i32) {
    %c0_i32 = arith.constant 0 : i32
    %c0_i32_0 = arith.constant 0 : i32
    return %arg0, %c0_i32 : i32, i32
  }
  func.func @transform_3(%arg0: i32) -> (i32, i32) {
    %c0_i32 = arith.constant 0 : i32
    %c0_i32_0 = arith.constant 0 : i32
    return %arg0, %c0_i32 : i32, i32
  }
}

</mosaic_0001>

<sc_bundles>
// kernel: kernel.4.cloned.1.call-start
scs
__scs_entry_jumppad:
0x0: {  	(pc) =	sbr.rel $0x88, $3  }
0x1: {  	(tag) =	ssettag $0x0;
	lr =	simm.s32 $0x1  }
0x2: {  	[smem:$0x3F9B] =	sst lr;
	_ =	strace $0xD0000000  }
0x3: {  	_ = 	snop  }
0x4: {  	_ = 	snop  }
0x5: {  	_ = 	snop  }
0x6: {  	_ = 	snop  }
0x7: {  	_ = 	snop  }
__scs_overlays_trampoline_lowered:
0x8: {  	[smem:$0x3FAA] =	sst s0  }
0x9: {  	[smem:$0x3FAB] =	sst s1  }
0xa: {  	[smem:$0x3FAC] =	sst s2  }
0xb: {  	[smem:$0x3FAD] =	sst s3  }
0xc: {  	[smem:$0x3FAE] =	sst s4  }
0xd: {  	[smem:$0x3FAF] =	sst s5  }
0xe: {  	[smem:$0x3FB0] =	sst s6  }
0xf: {  	[smem:$0x3FB1] =	sst s7  }
0x10: {  	[smem:$0x3FB2] =	sst s8  }
0x11: {  	[smem:$0x3FB3] =	sst s9;
	s0 =	simm.s32 @!p0 $0x0  }
0x12: {  	s1 =	sld [smem:$0x3F99];
	s0 =	simm.s32 @p0 $0x1  }
0x13: {  	[smem:$0x3FB4] =	sst s0;
	s0 =	simm.s32 @!p1 $0x0  }
0x14: {  	s2 =	sld [smem:$0x3F98];
	s0 =	simm.s32 @p1 $0x1  }
0x15: {  	[smem:$0x3FB5] =	sst s0;
	s0 =	simm.s32 @!p2 $0x0  }
0x16: {  	s3 =	sld [smem:$0x3FDB];
	s0 =	simm.s32 @p2 $0x1  }
0x17: {  	s4 =	simm.s32 $0x1BF5;
	[smem:$0x3FB7] =	sst s0  }
0x18: {  	s0 =	sld [smem:$0x3F9A];
	_ =	swait.ge [sflag:s4], $0x0  }
0x19: {  	s7 =	sld [smem:$0x3F9B]  }
0x1a: {  	s8 =	sadd.s32 $0xFFFFE003, lr  }
0x1b: {  	s9 =	sadd.s32 $0xFFFFFEF7, lr;
	s5 =	simm.s32 $0xFFFFFFFF;
	p2 =	slt.u32 s8, $0xFFFFF086  }
0x1c: {  	p1 =	slt.u32 s9, $0xF7A;
	s5 =	simm.s32 @!p2 $0x0  }
0x1d: {  	s5 =	simm.s32 @p1 $0x1;
	p0 =	seq.s32 s7, s2  }
0x1e: {  	s7 =	smul.u32 @!p0 $0xF7A, s2;
	p2 =	seq.s32 @!p0 s5, $0x0  }
0x1f: {  	s9 =	smul.u32 $0xF7A, s1;
	s8 =	simm.s32 @!p0 $0x1BF5;
	p2 =	por !p2, p0  }
0x20: {  	[sflag:s8] =	ssyncset.s32 @!p0 $0xFFFFF086;
	s6 =	sadd.s32 @!p0 s3, s7;
	s7 =	simm.s32 @!p0 $0x108  }
0x21: {  	s3 =	sadd.s32 s3, s9;
	s6 =	sadd.s32 @!p0 $0x88, s6;
	s7 =	simm.s32 @p2 $0x1082  }
0x22: {  	[simem:s7], [sflag:s8] =	dma.local @!p0 [hbm:s6], $0xF7A  }
0x23: {  	s9 =	sor.u32 $0xD0000000, s2;
	s6 =	simm.s32 $0x108;
	_ =	swait.ge @!p0 [sflag:s8], $0x0  }
0x24: {  	s3 =	sadd.s32 $0x88, s3;
	s6 =	simm.s32 @!p1 $0x1082;
	[sflag:s4] =	ssyncset.s32 $0xFFFFF086  }
0x25: {  	[simem:s6], [sflag:s4] =	dma.local [hbm:s3], $0xF7A  }
0x26: {  	[smem:$0x3F9B] =	sst s1;
	(tag) =	ssettag s2;
	_ =	strace s9  }
0x27: {  	s1 =	sld [smem:$0x3FAB]  }
0x28: {  	s2 =	sld [smem:$0x3FAC]  }
0x29: {  	s4 =	sld [smem:$0x3FAE]  }
0x2a: {  	p0 =	seq.s32 s5, $0x0;
	s5 =	sld [smem:$0x3FAF]  }
0x2b: {  	s6 =	sld [smem:$0x3FB0]  }
0x2c: {  	s7 =	sld [smem:$0x3FB1]  }
0x2d: {  	s3 =	simm.s32 $0x108;
	s8 =	sld [smem:$0x3FB2]  }
0x2e: {  	s3 =	simm.s32 @!p0 $0x1082;
	s9 =	sld [smem:$0x3FB3]  }
0x2f: {  	lr =	sadd.s32 s0, s3;
	s0 =	sld [smem:$0x3FAA]  }
0x30: {  	s3 =	sld [smem:$0x3FAD]  }
0x31: {  	[smem:$0x3FB6] =	sst s10  }
0x32: {  	s10 =	sld [smem:$0x3FB4];
	_ =	sdelay $0x3  }
0x33: {  	p0 =	seq.s32 s10, $0x1;
	s10 =	sld [smem:$0x3FB6];
	_ =	sdelay $0x3  }
0x34: {  	[smem:$0x3FB6] =	sst s10  }
0x35: {  	s10 =	sld [smem:$0x3FB5];
	_ =	sdelay $0x3  }
0x36: {  	p1 =	seq.s32 s10, $0x1;
	s10 =	sld [smem:$0x3FB6];
	_ =	sdelay $0x3  }
0x37: {  	[smem:$0x3FB6] =	sst s10  }
0x38: {  	s10 =	sld [smem:$0x3FB7]  }
0x39: {  	_ = 	snop;
	(pc) =	sbr.ind lr, $3  }
0x3a: {  	_ = 	snop  }
0x3b: {  	_ = 	snop  }
0x3c: {  	p2 =	seq.s32 s10, $0x1;
	s10 =	sld [smem:$0x3FB6]  }
0x3d: {  	_ =	shalt  }
0x3e: {  	_ =	shalt  }
0x3f: {  	_ =	shalt  }
0x40: {  	_ =	shalt  }
0x41: {  	_ =	shalt  }
0x42: {  	_ =	shalt  }
0x43: {  	_ =	shalt  }
0x44: {  	_ =	shalt  }
0x45: {  	_ =	shalt  }
0x46: {  	_ =	shalt  }
0x47: {  	_ =	shalt  }
0x48: {  	_ =	shalt  }
0x49: {  	_ =	shalt  }
0x4a: {  	_ =	shalt  }
0x4b: {  	_ =	shalt  }
0x4c: {  	_ =	shalt  }
0x4d: {  	_ =	shalt  }
0x4e: {  	_ =	shalt  }
0x4f: {  	_ =	shalt  }
0x50: {  	_ =	shalt  }
0x51: {  	_ =	shalt  }
0x52: {  	_ =	shalt  }
0x53: {  	_ =	shalt  }
0x54: {  	_ =	shalt  }
0x55: {  	_ =	shalt  }
0x56: {  	_ =	shalt  }
0x57: {  	_ =	shalt  }
0x58: {  	_ =	shalt  }
0x59: {  	_ =	shalt  }
0x5a: {  	_ =	shalt  }
0x5b: {  	_ =	shalt  }
0x5c: {  	_ =	shalt  }
0x5d: {  	_ =	shalt  }
0x5e: {  	_ =	shalt  }
0x5f: {  	_ =	shalt  }
0x60: {  	_ =	shalt  }
0x61: {  	_ =	shalt  }
0x62: {  	_ =	shalt  }
0x63: {  	_ =	shalt  }
0x64: {  	_ =	shalt  }
0x65: {  	_ =	shalt  }
0x66: {  	_ =	shalt  }
0x67: {  	_ =	shalt  }
0x68: {  	_ =	shalt  }
0x69: {  	_ =	shalt  }
0x6a: {  	_ =	shalt  }
0x6b: {  	_ =	shalt  }
0x6c: {  	_ =	shalt  }
0x6d: {  	_ =	shalt  }
0x6e: {  	_ =	shalt  }
0x6f: {  	_ =	shalt  }
0x70: {  	_ =	shalt  }
0x71: {  	_ =	shalt  }
0x72: {  	_ =	shalt  }
0x73: {  	_ =	shalt  }
0x74: {  	_ =	shalt  }
0x75: {  	_ =	shalt  }
0x76: {  	_ =	shalt  }
0x77: {  	_ =	shalt  }
0x78: {  	_ =	shalt  }
0x79: {  	_ =	shalt  }
0x7a: {  	_ =	shalt  }
0x7b: {  	_ =	shalt  }
0x7c: {  	_ =	shalt  }
0x7d: {  	_ =	shalt  }
0x7e: {  	_ =	shalt  }
0x7f: {  	_ =	shalt  }
0x80: {  	_ =	shalt  }
0x81: {  	_ =	shalt  }
0x82: {  	_ =	shalt  }
0x83: {  	_ =	shalt  }
0x84: {  	_ =	shalt  }
0x85: {  	_ =	shalt  }
0x86: {  	_ =	shalt  }
0x87: {  	_ =	shalt  }
.Lfunc_end0:
.L_simem_size_0:
called_computation_lowered:
.L_overlay_start_0:
0x88: {  	s2 =	sld [smem:$0x3FD9]  }
0x89: {  	s3 =	sld [smem:$0x3FFE];
	_ =	sdelay $0x1  }
0x8a: {  	s1 =	srdreg.scid  }
0x8b: {  	s0 =	sand.u32 $0x1, s1  }
0x8c: {  	s17 =	sshll.u32 s0, $0xA;
	s2 =	sadd.s32 s3, s2  }
0x8d: {  	s2 =	sadd.s32 s2, s17  }
0x8e: {  	[smem:$0x3FC2] =	sst s2  }
0x8f: {  	_ = 	snop  }
0x90: {  	s2 =	sld [smem:$0x3FD0];
	(tm) =	ssettm $0x1  }
0x91: {  	s18 =	sld [smem:$0x3FFB];
	_ =	sdelay $0x3  }
0x92: {  	_ =	strace s18  }
0x93: {  	s3 =	sld [smem:$0x3FFC];
	_ =	sdelay $0x3  }
0x94: {  	_ =	strace s3  }
0x95: {  	s3 =	sld [smem:$0x3FFD];
	_ =	sdelay $0x3  }
0x96: {  	_ =	strace s3  }
0x97: {  	_ =	strace $0x8FFFFFFF  }
0x98: {  	s19 =	sld [smem:$0x3FDB];
	_ =	sdelay $0x1  }
0x99: {  	s4 =	simm.s32 $_scs_section_size  }
0x9a: {  	s5 =	simm.s32 $_size__tile_overlayer_lowered;
	s6 =	simm.s32 $_tile_overlayer_lowered  }
0x9b: {  	s22 =	simm.s32 $0x1BFF;
	s21 =	sshll.u32 s6, $0x1;
	s3 =	sadd.s32 s4, s19  }
0x9c: {  	s7 =	simm.s32 $0x0;
	s20 =	sshll.u32 s5, $0x1;
	s5 =	sadd.s32 s21, s3  }
0x9d: {  	[timem:s7], [sflag:s22] =	dma.local [hbm:s5], s20  }
0x9e: {  	_ =	swait.ge [sflag:s22], s20  }
0x9f: {  	s4 =	ssub.s32 $0x0, s20;
	[sflag:s22] =	ssyncset.done $0x0  }
0xa0: {  	[sflag:s22] =	ssyncadd.s32 s4;
	_ =	sdelay $0x1  }
0xa1: {  	s23 =	simm.s32 $0x1B8B  }
0xa2: {  	_ =	swait.ge [sflag:s23], $0x1  }
0xa3: {  	[sflag:s23] =	ssyncset.done $0x0  }
0xa4: {  	s25 =	simm.s32 $0x1B8E;
	s24 =	sld [smem:$0x3FFE];
	[sflag:s23] =	ssyncadd.s32 $0xFFFFFFFF  }
0xa5: {  	s26 =	simm.s32 $execute0_lowered;
	[smem:$0x3FD2] =	sst s25  }
0xa6: {  	s5 =	sshll.u32 s26, $0x1;
	_ =	strace $0x80000046;
	[dreg:$0x1] =	wrdreg $0xFFFFFFFF  }
0xa7: {  	s28 =	simm.s32 $_size_execute0_lowered;
	s3 =	sadd.s32 s3, s5;
	[dreg:$0x0] =	wrdreg $0x0  }
0xa8: {  	s5 =	sshll.u32 s28, $0x1;
	[dreg:$0x2] =	wrdreg s3  }
0xa9: {  	[dreg:$0x3] =	wrdreg s5  }
0xaa: {  	[dreg:$0x4] =	wrdreg $0xC0  }
0xab: {  	_ =	task [dreg:s7], $0x5FFFF  }
0xac: {  	[dreg:$0x1] =	wrdreg $0xFFFFFFFF  }
0xad: {  	[dreg:$0x0] =	wrdreg $0x60  }
0xae: {  	[dreg:$0x2] =	wrdreg s2  }
0xaf: {  	[dreg:$0x3] =	wrdreg s24  }
0xb0: {  	[dreg:$0x4] =	wrdreg $0x9  }
0xb1: {  	_ =	task.clear_ibuf [dreg:s7], $0x5FFFF;
	_ =	strace $0x90000046  }
0xb2: {  	s29 =	simm.s32 $0x9;
	_ =	strace $0x80000048  }
0xb3: {  	_ =	swait.ge [sflag:s29], $0x1  }
0xb4: {  	[sflag:s29] =	ssyncadd.s32 $0xFFFFFFFF  }
0xb5: {  	_ =	strace $0x90000048  }
0xb6: {  	_ =	sfence  }
0xb7: {  	s30 =	sld [smem:$0x0];
	_ =	sdelay $0x2  }
0xb8: {  	s31 =	sshll.u32 s1, $0xD;
	s1 =	sshrl.u32 s1, $0x2  }
0xb9: {  	s3 =	sand.u32 $0x4000, s31;
	s1 =	sadd.s32 s1, s30  }
0xba: {  	s0 =	sor.u32 s3, s0;
	s1 =	sshll.u32 s1, $0x11  }
0xbb: {  	s0 =	sor.u32 s1, s0  }
0xbc: {  	s0 =	sadd.s32 $0x8F2B, s0  }
0xbd: {  	[sflag:s0] =	ssyncadd.remote.s32 $0x1  }
0xbe: {  	_ =	sfence.sel $0xFFFF  }
0xbf: {  	[dreg:$0x0] =	wrdreg $0xFFFFFFFF;
	(pc) =	sbr.abs _section_cstart, $3  }
0xc0: {  	[dreg:$0x1] =	wrdreg $0xFFFFFFFF  }
0xc1: {  	_ =	task.clear_ibuf [dreg:s7], $0x2FFFF;
	_ =	strace $0x9FFFFFFF  }
0xc2: {  	(tm) =	ssettm $0x7FFFFFFF  }
0xc3: {  	_ =	shalt  }
tec
execute0_lowered:
.L_overlay_start_1:
0x0: {  	(tag) =	ssettag $0x1  }
0x1: {  	s0 =	rddreg [dreg:$0x0]  }
0x2: {  	s2 =	rddreg [dreg:$0x1]  }
0x3: {  	s1 =	srdreg.scid;
	s4 =	stileid.u32  }
0x4: {  	s3 =	simm.s32 $0x0;
	s14 =	simm.s32 $0x80;
	s15 =	simm.s32 $0x100  }
0x5: {  	s16 =	simm.s32 $0x4F00;
	s17 =	simm.s32 $0x2780;
	s18 =	simm.s32 $0x5000  }
0x6: {  	s19 =	simm.s32 $0x1;
	s22 =	simm.s32 $0xFF00;
	s28 =	simm.s32 $0xA000  }
0x7: {  	s29 =	simm.s32 $0xC780;
	s1 =	sand.u32 $0x1, s1;
	s4 =	sshll.u32 s4, $0x1  }
0x8: {  	s30 =	simm.s32 $0x3;
	[smem:$0x7FF] =	sst s3;
	s4 =	sor.u32 s1, s4  }
0x9: {  	s31 =	simm.s32 $0x200;
	_ =	strace $0x80000047;
	s5 =	smul.u32 $0x13C0, s4  }
0xa: {  	s1 =	ssub.s32 $0x2, s1;
	s6 =	sshll.u32 s4, $0x6;
	s7 =	smul.u32 $0x9E0, s4  }
0xb: {  	s4 =	sadd.s32 $0xA600, s2;
	s8 =	sshrl.u32 s1, $0x1;
	s6 =	sadd.s32 s6, s2  }
0xc: {  	s1 =	ssub.s32 s1, s8;
	s9 =	sadd.s32 s5, s2;
	s5 =	sadd.s32 s0, s7  }
0xd: {  	s23 =	sadd.s32 $0x9E00, s6;
	s25 =	sadd.s32 $0x9E10, s6;
	s13 =	smax.u32 s1, $0x1  }
0xe: {  	s0 =	simm.s32 $0x4;
	s1 =	simm.s32 $0x0;
	[dreg:$0x3] =	wrdreg s23  }
0xf: {  	s24 =	sadd.s32 $0x10, s5;
	[dreg:$0x5] =	wrdreg s25;
	s26 =	sadd.s32 $0x14400, s9  }
0x10: {  	s10 =	sadd.s32 $0x14410, s9;
	s11 =	sadd.s32 $0x14420, s9;
	s12 =	sadd.s32 $0x14430, s9  }
0x11: {  	s23 =	simm.s32 $0x11F00;
	s25 =	simm.s32 $0x5100;
	[dreg:$0x4] =	wrdreg s24  }
0x12: {  	v0 =	vimm.f32 $0.0e+00;
	[dreg:$0x6] =	wrdreg s26;
	s24 =	simm.s32 $0x2;
	s26 =	simm.s32 $0x7880  }
.LBB2_1:
0x13: {  	[tilespmem:s3], [sflag:$0x1] =	stream.strided.gather [hbm4b:s5+s14], $0x2780, s15, s14, $0x38;
	[tilespmem:$0x12F00] =	vst v63  }
0x14: {  	s6 =	rddreg [dreg:$0x3]  }
0x15: {  	[tilespmem:s16], [sflag:$0x1] =	stream.strided.gather [hbm4b:s6+s14], $0x100, s15, s14, $0x38;
	[tilespmem:$0x12F00] =	vst v63  }
0x16: {  	s20 =	rddreg [dreg:$0x4]  }
0x17: {  	[tilespmem:s17], [sflag:$0x1] =	stream.strided.gather [hbm4b:s20+s14], $0x2780, s15, s14, $0x38;
	[tilespmem:$0x12F00] =	vst v63  }
0x18: {  	s21 =	rddreg [dreg:$0x5];
	s6 =	simm.s32 $0x5140  }
0x19: {  	[tilespmem:s18], [sflag:$0x1] =	stream.strided.gather [hbm4b:s21+s14], $0x100, s15, s14, $0x38;
	[tilespmem:$0x12F00] =	vst v63  }
0x1a: {  	s7 =	simm.s32 $0x78C0;
	[tilespmem:s6+$0xFFFFFFC0] =	vst v0  }
0x1b: {  	s9 =	simm.s32 $0xA040;
	[tilespmem:s7+$0xFFFFFFC0] =	vst v0  }
0x1c: {  	s8 =	simm.s32 $0xC7C0;
	[tilespmem:s9+$0xFFFFFFC0] =	vst v0  }
0x1d: {  	[tilespmem:s8+$0xFFFFFFC0] =	vst v0  }
0x1e: {  	[tilespmem:s6+$0xFFFFFFD0] =	vst v0  }
0x1f: {  	[tilespmem:s7+$0xFFFFFFD0] =	vst v0  }
0x20: {  	[tilespmem:s9+$0xFFFFFFD0] =	vst v0  }
0x21: {  	[tilespmem:s8+$0xFFFFFFD0] =	vst v0  }
0x22: {  	[tilespmem:s6+$0xFFFFFFE0] =	vst v0  }
0x23: {  	[tilespmem:s7+$0xFFFFFFE0] =	vst v0  }
0x24: {  	[tilespmem:s9+$0xFFFFFFE0] =	vst v0  }
0x25: {  	[tilespmem:s8+$0xFFFFFFE0] =	vst v0  }
0x26: {  	[tilespmem:s6+$0xFFFFFFF0] =	vst v0  }
0x27: {  	[tilespmem:s7+$0xFFFFFFF0] =	vst v0  }
0x28: {  	[tilespmem:s9+$0xFFFFFFF0] =	vst v0  }
0x29: {  	[tilespmem:s8+$0xFFFFFFF0] =	vst v0  }
0x2a: {  	[tilespmem:s6+$0x0] =	vst v0  }
0x2b: {  	[tilespmem:s7+$0x0] =	vst v0  }
0x2c: {  	[tilespmem:s9+$0x0] =	vst v0  }
0x2d: {  	[tilespmem:s8+$0x0] =	vst v0  }
0x2e: {  	[tilespmem:s6+$0x10] =	vst v0  }
0x2f: {  	[tilespmem:s7+$0x10] =	vst v0  }
0x30: {  	[tilespmem:s9+$0x10] =	vst v0  }
0x31: {  	[tilespmem:s8+$0x10] =	vst v0  }
0x32: {  	[tilespmem:s6+$0x20] =	vst v0  }
0x33: {  	[tilespmem:s7+$0x20] =	vst v0  }
0x34: {  	[tilespmem:s9+$0x20] =	vst v0  }
0x35: {  	[tilespmem:s8+$0x20] =	vst v0  }
0x36: {  	[tilespmem:s6+$0x30] =	vst v0  }
0x37: {  	[tilespmem:s7+$0x30] =	vst v0  }
0x38: {  	s20 =	simm.s32 $0x0;
	s21 =	simm.s32 $0xA0C0;
	[tilespmem:s9+$0x30] =	vst v0;
	s9 =	simm.s32 $0xC840  }
.LBB2_2:
0x39: {  	s20 =	sadd.s32 $0x8, s20;
	[tilespmem:s8+$0x30] =	vst v0;
	s6 =	sadd.s32 $0x80, s6;
	s7 =	sadd.s32 $0x80, s7  }
0x3a: {  	s8 =	smov.u32 s9;
	[tilespmem:s6+$0xFFFFFFC0] =	vst v0;
	p0 =	slt.u32 s20, $0x268  }
0x3b: {  	[tilespmem:s7+$0xFFFFFFC0] =	vst v0  }
0x3c: {  	[tilespmem:s21+$0xFFFFFFC0] =	vst v0  }
0x3d: {  	[tilespmem:s9+$0xFFFFFFC0] =	vst v0  }
0x3e: {  	[tilespmem:s6+$0xFFFFFFD0] =	vst v0  }
0x3f: {  	[tilespmem:s7+$0xFFFFFFD0] =	vst v0  }
0x40: {  	[tilespmem:s21+$0xFFFFFFD0] =	vst v0  }
0x41: {  	[tilespmem:s9+$0xFFFFFFD0] =	vst v0  }
0x42: {  	[tilespmem:s6+$0xFFFFFFE0] =	vst v0  }
0x43: {  	[tilespmem:s7+$0xFFFFFFE0] =	vst v0  }
0x44: {  	[tilespmem:s21+$0xFFFFFFE0] =	vst v0  }
0x45: {  	[tilespmem:s9+$0xFFFFFFE0] =	vst v0  }
0x46: {  	[tilespmem:s6+$0xFFFFFFF0] =	vst v0  }
0x47: {  	[tilespmem:s7+$0xFFFFFFF0] =	vst v0  }
0x48: {  	[tilespmem:s21+$0xFFFFFFF0] =	vst v0  }
0x49: {  	[tilespmem:s9+$0xFFFFFFF0] =	vst v0  }
0x4a: {  	[tilespmem:s6+$0x0] =	vst v0  }
0x4b: {  	[tilespmem:s7+$0x0] =	vst v0  }
0x4c: {  	[tilespmem:s21+$0x0] =	vst v0  }
0x4d: {  	[tilespmem:s9+$0x0] =	vst v0  }
0x4e: {  	[tilespmem:s6+$0x10] =	vst v0  }
0x4f: {  	[tilespmem:s7+$0x10] =	vst v0  }
0x50: {  	[tilespmem:s21+$0x10] =	vst v0  }
0x51: {  	[tilespmem:s9+$0x10] =	vst v0  }
0x52: {  	[tilespmem:s6+$0x20] =	vst v0  }
0x53: {  	[tilespmem:s7+$0x20] =	vst v0  }
.Ltmp0:
0x54: {  	[tilespmem:s21+$0x20] =	vst v0;
	(pc) =	sbr.rel @p0 .LBB2_2-.Ltmp0, $4  }
0x55: {  	[tilespmem:s9+$0x20] =	vst v0  }
0x56: {  	[tilespmem:s6+$0x30] =	vst v0  }
0x57: {  	[tilespmem:s7+$0x30] =	vst v0  }
0x58: {  	s9 =	sadd.s32 $0x80, s9;
	[tilespmem:s21+$0x30] =	vst v0;
	s21 =	sadd.s32 $0x80, s21  }
0x59: {  	[tilespmem:s8+$0x30] =	vst v0  }
0x5a: {  	[tilespmem:$0x7800] =	vst v0  }
0x5b: {  	[tilespmem:$0x9F80] =	vst v0  }
0x5c: {  	[tilespmem:$0xC700] =	vst v0  }
0x5d: {  	[tilespmem:$0xEE80] =	vst v0  }
0x5e: {  	_ =	swait.ge [sflag:s19], $0x2780  }
0x5f: {  	[sflag:s19] =	ssyncset.done $0x0  }
0x60: {  	[sflag:s19] =	ssyncadd.s32 $0xFFFFD880  }
0x61: {  	_ =	swait.ge [sflag:s19], $0x100  }
0x62: {  	[sflag:s19] =	ssyncset.done $0x0  }
0x63: {  	[sflag:s19] =	ssyncadd.s32 $0xFFFFFF00  }
0x64: {  	_ =	swait.ge [sflag:s19], $0x2780  }
0x65: {  	[sflag:s19] =	ssyncset.done $0x0  }
0x66: {  	[sflag:s19] =	ssyncadd.s32 $0xFFFFD880  }
0x67: {  	_ =	swait.ge [sflag:s19], $0x100  }
0x68: {  	[sflag:s19] =	ssyncset.done $0x0  }
0x69: {  	s20 =	simm.s32 $0x0;
	s6 =	simm.s32 $0xEF00;
	[sflag:s19] =	ssyncadd.s32 $0xFFFFFF00  }
0x6a: {  	[tilespmem:s6], [sflag:$0x2] =	stream.linear.gather [hbm4b:s4+s20], $0xFA0, $0x38;
	[tilespmem:$0x12F00] =	vst v63  }
0x6b: {  	s21 =	simm.s32 $0x10F00  }
0x6c: {  	[tilespmem:s21], [sflag:$0x2] =	stream.linear.gather [hbm4b:s2+s20], $0xFA0, $0x38;
	[tilespmem:$0x12F00] =	vst v63  }
.LBB2_4:
0x6d: {  	s21 =	smul.u32 $0x1F40, s20;
	_ =	sdelay $0x1  }
0x6e: {  	s6 =	sshrl.u32 s21, $0x3  }
0x6f: {  	s6 =	sadd.s32 $0x1F4, s6  }
0x70: {  	s7 =	sadd.s32 s4, s6  }
0x71: {  	[tilespmem:s22], [sflag:$0x3] =	stream.linear.gather [hbm4b:s7+s3], $0xFA0, $0x38;
	[tilespmem:$0x12F00] =	vst v63  }
0x72: {  	s6 =	sadd.s32 s2, s6  }
0x73: {  	[tilespmem:s23], [sflag:$0x3] =	stream.linear.gather [hbm4b:s6+s3], $0xFA0, $0x38;
	[tilespmem:$0x12F00] =	vst v63  }
0x74: {  	_ =	swait.ge [sflag:s24], $0xFA0  }
0x75: {  	[sflag:s24] =	ssyncset.done $0x0  }
0x76: {  	[sflag:s24] =	ssyncadd.s32 $0xFFFFF060  }
0x77: {  	_ =	swait.ge [sflag:s24], $0xFA0  }
0x78: {  	[sflag:s24] =	ssyncset.done $0x0  }
0x79: {  	[sflag:s24] =	ssyncadd.s32 $0xFFFFF060  }
0x7a: {  	v1 =	vld [tilespmem:$0xEF00];
	_ =	sdelay $0x4  }
0x7b: {  	v3 =	vshrl.u32 v1, $0x8;
	_ =	sdelay $0x1  }
0x7c: {  	v2 =	vld [tilespmem:$0x10F00];
	v4 =	vand.u32 $0xFF, v1  }
0x7d: {  	v7 =	vld [tilespmem:$0xEF10]  }
0x7e: {  	v1 =	vld [tilespmem:$0x10F10]  }
0x7f: {  	v5 =	vld.idx.msk [tilespmem:v3+s3+$0x0], $0xffff  }
0x80: {  	v3 =	vld.idx.msk [tilespmem:v3+s17+$0x0], $0xffff  }
0x81: {  	v6 =	vld.idx.msk [tilespmem:v4+s16+$0x0], $0xffff  }
0x82: {  	s8 =	simm.s32 $0x10F50;
	s7 =	simm.s32 $0xEF50;
	s6 =	simm.s32 $0xFFFFFFF8;
	v4 =	vld.idx.msk [tilespmem:v4+s18+$0x0], $0xffff  }
.LBB2_5:
0x83: {  	v8 =	vshrl.u32 v7, $0x8;
	_ =	sdelay $0x1  }
0x84: {  	v7 =	vand.u32 $0xFF, v7  }
0x85: {  	v9 =	vld [tilespmem:s7+$0xFFFFFFD0]  }
0x86: {  	v10 =	vld [tilespmem:s8+$0xFFFFFFD0]  }
0x87: {  	v11 =	vld.idx.msk [tilespmem:v8+s3+$0x0], $0xffff  }
0x88: {  	v12 =	vshll.u32 v5, $0x10;
	v13 =	vshll.u32 v6, $0x10;
	v8 =	vld.idx.msk [tilespmem:v8+s17+$0x0], $0xffff  }
0x89: {  	v5 =	vand.u32 $0xFFFF0000, v5;
	v6 =	vand.u32 $0xFFFF0000, v6;
	v12 =	vsub.f32 v12, v13;
	v14 =	vld.idx.msk [tilespmem:v7+s16+$0x0], $0xffff  }
0x8a: {  	v25 =	vshll.u32 v4, $0x10;
	v5 =	vsub.f32 v5, v6;
	v6 =	vshll.u32 v3, $0x10;
	v7 =	vld.idx.msk [tilespmem:v7+s18+$0x0], $0xffff  }
0x8b: {  	v4 =	vand.u32 $0xFFFF0000, v4;
	v3 =	vand.u32 $0xFFFF0000, v3;
	v6 =	vsub.f32 v6, v25;
	[tilespmem:v2+s25+$0x0] =	vst.idx.add.f32.msk $0xffff, v12  }
0x8c: {  	v3 =	vsub.f32 v3, v4;
	v4 =	vshrl.u32 v9, $0x8;
	[tilespmem:v2+s26+$0x0] =	vst.idx.add.f32.msk $0xffff, v5  }
0x8d: {  	[tilespmem:v2+s28+$0x0] =	vst.idx.add.f32.msk $0xffff, v6  }
0x8e: {  	[tilespmem:v2+s29+$0x0] =	vst.idx.add.f32.msk $0xffff, v3;
	v2 =	vand.u32 $0xFF, v9  }
0x8f: {  	v3 =	vld [tilespmem:s7+$0xFFFFFFE0]  }
0x90: {  	v5 =	vld [tilespmem:s8+$0xFFFFFFE0]  }
0x91: {  	v6 =	vld.idx.msk [tilespmem:v4+s3+$0x0], $0xffff  }
0x92: {  	v4 =	vld.idx.msk [tilespmem:v4+s17+$0x0], $0xffff;
	v26 =	vshll.u32 v11, $0x10;
	v27 =	vshll.u32 v14, $0x10  }
0x93: {  	v11 =	vand.u32 $0xFFFF0000, v11;
	v14 =	vand.u32 $0xFFFF0000, v14;
	v9 =	vsub.f32 v26, v27;
	v28 =	vld.idx.msk [tilespmem:v2+s16+$0x0], $0xffff  }
0x94: {  	v29 =	vshll.u32 v8, $0x10;
	v30 =	vshll.u32 v7, $0x10;
	v11 =	vsub.f32 v11, v14;
	v2 =	vld.idx.msk [tilespmem:v2+s18+$0x0], $0xffff  }
0x95: {  	v8 =	vand.u32 $0xFFFF0000, v8;
	v7 =	vand.u32 $0xFFFF0000, v7;
	v31 =	vsub.f32 v29, v30;
	[tilespmem:v1+s25+$0x0] =	vst.idx.add.f32.msk $0xffff, v9  }
0x96: {  	v7 =	vsub.f32 v8, v7;
	[tilespmem:v1+s26+$0x0] =	vst.idx.add.f32.msk $0xffff, v11;
	v8 =	vshrl.u32 v3, $0x8  }
0x97: {  	[tilespmem:v1+s28+$0x0] =	vst.idx.add.f32.msk $0xffff, v31  }
0x98: {  	[tilespmem:v1+s29+$0x0] =	vst.idx.add.f32.msk $0xffff, v7;
	v1 =	vand.u32 $0xFF, v3  }
0x99: {  	v3 =	vld [tilespmem:s7+$0xFFFFFFF0]  }
0x9a: {  	v7 =	vld [tilespmem:s8+$0xFFFFFFF0]  }
0x9b: {  	v9 =	vld.idx.msk [tilespmem:v8+s3+$0x0], $0xffff  }
0x9c: {  	v32 =	vshll.u32 v6, $0x10;
	v33 =	vshll.u32 v28, $0x10;
	v8 =	vld.idx.msk [tilespmem:v8+s17+$0x0], $0xffff  }
0x9d: {  	v6 =	vand.u32 $0xFFFF0000, v6;
	v13 =	vand.u32 $0xFFFF0000, v28;
	v11 =	vsub.f32 v32, v33;
	v34 =	vld.idx.msk [tilespmem:v1+s16+$0x0], $0xffff  }
0x9e: {  	v35 =	vshll.u32 v4, $0x10;
	v36 =	vshll.u32 v2, $0x10;
	v6 =	vsub.f32 v6, v13;
	v1 =	vld.idx.msk [tilespmem:v1+s18+$0x0], $0xffff  }
0x9f: {  	v4 =	vand.u32 $0xFFFF0000, v4;
	v2 =	vand.u32 $0xFFFF0000, v2;
	v37 =	vsub.f32 v35, v36;
	[tilespmem:v10+s25+$0x0] =	vst.idx.add.f32.msk $0xffff, v11  }
0xa0: {  	v2 =	vsub.f32 v4, v2;
	[tilespmem:v10+s26+$0x0] =	vst.idx.add.f32.msk $0xffff, v6;
	v4 =	vshrl.u32 v3, $0x8  }
0xa1: {  	[tilespmem:v10+s28+$0x0] =	vst.idx.add.f32.msk $0xffff, v37  }
0xa2: {  	[tilespmem:v10+s29+$0x0] =	vst.idx.add.f32.msk $0xffff, v2;
	v2 =	vand.u32 $0xFF, v3  }
0xa3: {  	v3 =	vld [tilespmem:s7+$0x0]  }
0xa4: {  	v6 =	vld [tilespmem:s8+$0x0]  }
0xa5: {  	v10 =	vld.idx.msk [tilespmem:v4+s3+$0x0], $0xffff  }
0xa6: {  	v38 =	vshll.u32 v9, $0x10;
	v39 =	vshll.u32 v34, $0x10;
	v4 =	vld.idx.msk [tilespmem:v4+s17+$0x0], $0xffff  }
0xa7: {  	v9 =	vand.u32 $0xFFFF0000, v9;
	v14 =	vand.u32 $0xFFFF0000, v34;
	v11 =	vsub.f32 v38, v39;
	v40 =	vld.idx.msk [tilespmem:v2+s16+$0x0], $0xffff  }
0xa8: {  	v41 =	vshll.u32 v8, $0x10;
	v42 =	vshll.u32 v1, $0x10;
	v9 =	vsub.f32 v9, v14;
	v2 =	vld.idx.msk [tilespmem:v2+s18+$0x0], $0xffff  }
0xa9: {  	v8 =	vand.u32 $0xFFFF0000, v8;
	v1 =	vand.u32 $0xFFFF0000, v1;
	v43 =	vsub.f32 v41, v42;
	[tilespmem:v5+s25+$0x0] =	vst.idx.add.f32.msk $0xffff, v11  }
0xaa: {  	v1 =	vsub.f32 v8, v1;
	[tilespmem:v5+s26+$0x0] =	vst.idx.add.f32.msk $0xffff, v9;
	v8 =	vshrl.u32 v3, $0x8  }
0xab: {  	[tilespmem:v5+s28+$0x0] =	vst.idx.add.f32.msk $0xffff, v43  }
0xac: {  	[tilespmem:v5+s29+$0x0] =	vst.idx.add.f32.msk $0xffff, v1;
	v1 =	vand.u32 $0xFF, v3  }
0xad: {  	v3 =	vld [tilespmem:s7+$0x10]  }
0xae: {  	v5 =	vld [tilespmem:s8+$0x10]  }
0xaf: {  	v9 =	vld.idx.msk [tilespmem:v8+s3+$0x0], $0xffff  }
0xb0: {  	v44 =	vshll.u32 v10, $0x10;
	v45 =	vshll.u32 v40, $0x10;
	v8 =	vld.idx.msk [tilespmem:v8+s17+$0x0], $0xffff  }
0xb1: {  	v10 =	vand.u32 $0xFFFF0000, v10;
	v13 =	vand.u32 $0xFFFF0000, v40;
	v11 =	vsub.f32 v44, v45;
	v46 =	vld.idx.msk [tilespmem:v1+s16+$0x0], $0xffff  }
0xb2: {  	v47 =	vshll.u32 v4, $0x10;
	v48 =	vshll.u32 v2, $0x10;
	v10 =	vsub.f32 v10, v13;
	v1 =	vld.idx.msk [tilespmem:v1+s18+$0x0], $0xffff  }
0xb3: {  	v4 =	vand.u32 $0xFFFF0000, v4;
	v2 =	vand.u32 $0xFFFF0000, v2;
	v49 =	vsub.f32 v47, v48;
	[tilespmem:v7+s25+$0x0] =	vst.idx.add.f32.msk $0xffff, v11  }
0xb4: {  	v2 =	vsub.f32 v4, v2;
	[tilespmem:v7+s26+$0x0] =	vst.idx.add.f32.msk $0xffff, v10;
	v4 =	vshrl.u32 v3, $0x8  }
0xb5: {  	[tilespmem:v7+s28+$0x0] =	vst.idx.add.f32.msk $0xffff, v49  }
0xb6: {  	[tilespmem:v7+s29+$0x0] =	vst.idx.add.f32.msk $0xffff, v2;
	v2 =	vand.u32 $0xFF, v3  }
0xb7: {  	v3 =	vld [tilespmem:s7+$0x20]  }
0xb8: {  	v10 =	vld [tilespmem:s8+$0x20]  }
0xb9: {  	v7 =	vld.idx.msk [tilespmem:v4+s3+$0x0], $0xffff  }
0xba: {  	v50 =	vshll.u32 v9, $0x10;
	v51 =	vshll.u32 v46, $0x10;
	v4 =	vld.idx.msk [tilespmem:v4+s17+$0x0], $0xffff  }
0xbb: {  	v9 =	vand.u32 $0xFFFF0000, v9;
	v14 =	vand.u32 $0xFFFF0000, v46;
	v11 =	vsub.f32 v50, v51;
	v52 =	vld.idx.msk [tilespmem:v2+s16+$0x0], $0xffff  }
0xbc: {  	v54 =	vshll.u32 v8, $0x10;
	v55 =	vshll.u32 v1, $0x10;
	v53 =	vld.idx.msk [tilespmem:v2+s18+$0x0], $0xffff;
	v2 =	vsub.f32 v9, v14  }
0xbd: {  	v8 =	vand.u32 $0xFFFF0000, v8;
	v1 =	vand.u32 $0xFFFF0000, v1;
	[tilespmem:v6+s25+$0x0] =	vst.idx.add.f32.msk $0xffff, v11;
	v9 =	vsub.f32 v54, v55  }
0xbe: {  	v1 =	vsub.f32 v8, v1;
	v8 =	vshrl.u32 v3, $0x8;
	[tilespmem:v6+s26+$0x0] =	vst.idx.add.f32.msk $0xffff, v2  }
0xbf: {  	[tilespmem:v6+s28+$0x0] =	vst.idx.add.f32.msk $0xffff, v9  }
0xc0: {  	[tilespmem:v6+s29+$0x0] =	vst.idx.add.f32.msk $0xffff, v1;
	v1 =	vand.u32 $0xFF, v3  }
0xc1: {  	v3 =	vld [tilespmem:s7+$0x30]  }
0xc2: {  	v2 =	vld [tilespmem:s8+$0x30]  }
0xc3: {  	v9 =	vld.idx.msk [tilespmem:v8+s3+$0x0], $0xffff  }
0xc4: {  	v6 =	vshll.u32 v7, $0x10;
	v56 =	vshll.u32 v52, $0x10;
	v8 =	vld.idx.msk [tilespmem:v8+s17+$0x0], $0xffff  }
0xc5: {  	v7 =	vand.u32 $0xFFFF0000, v7;
	v13 =	vand.u32 $0xFFFF0000, v52;
	v6 =	vsub.f32 v6, v56;
	v57 =	vld.idx.msk [tilespmem:v1+s16+$0x0], $0xffff  }
0xc6: {  	v59 =	vshll.u32 v53, $0x10;
	v58 =	vld.idx.msk [tilespmem:v1+s18+$0x0], $0xffff;
	v1 =	vsub.f32 v7, v13;
	v7 =	vshll.u32 v4, $0x10  }
0xc7: {  	[tilespmem:v5+s25+$0x0] =	vst.idx.add.f32.msk $0xffff, v6;
	v4 =	vand.u32 $0xFFFF0000, v4;
	v6 =	vand.u32 $0xFFFF0000, v53;
	v7 =	vsub.f32 v7, v59  }
0xc8: {  	[tilespmem:v5+s26+$0x0] =	vst.idx.add.f32.msk $0xffff, v1;
	v1 =	vsub.f32 v4, v6;
	v4 =	vshrl.u32 v3, $0x8  }
0xc9: {  	[tilespmem:v5+s28+$0x0] =	vst.idx.add.f32.msk $0xffff, v7  }
0xca: {  	v60 =	vand.u32 $0xFF, v3;
	[tilespmem:v5+s29+$0x0] =	vst.idx.add.f32.msk $0xffff, v1  }
0xcb: {  	v7 =	vld [tilespmem:s7+$0x40]  }
0xcc: {  	v1 =	vld [tilespmem:s8+$0x40]  }
0xcd: {  	v5 =	vld.idx.msk [tilespmem:v4+s3+$0x0], $0xffff  }
0xce: {  	s6 =	sadd.s32 $0x8, s6;
	v61 =	vshll.u32 v57, $0x10;
	v3 =	vld.idx.msk [tilespmem:v4+s17+$0x0], $0xffff;
	v4 =	vshll.u32 v9, $0x10  }
0xcf: {  	p0 =	slt.u32 s6, $0xF0;
	v14 =	vand.u32 $0xFFFF0000, v57;
	v6 =	vld.idx.msk [tilespmem:v60+s16+$0x0], $0xffff;
	v9 =	vand.u32 $0xFFFF0000, v9;
	v13 =	vsub.f32 v4, v61  }
.Ltmp1:
0xd0: {  	v62 =	vshll.u32 v8, $0x10;
	v63 =	vshll.u32 v58, $0x10;
	v4 =	vld.idx.msk [tilespmem:v60+s18+$0x0], $0xffff;
	v9 =	vsub.f32 v9, v14;
	(pc) =	sbr.rel @p0 .LBB2_5-.Ltmp1, $4  }
0xd1: {  	v8 =	vand.u32 $0xFFFF0000, v8;
	v11 =	vand.u32 $0xFFFF0000, v58;
	v12 =	vsub.f32 v62, v63;
	[tilespmem:v10+s25+$0x0] =	vst.idx.add.f32.msk $0xffff, v13  }
0xd2: {  	v8 =	vsub.f32 v8, v11;
	[tilespmem:v10+s26+$0x0] =	vst.idx.add.f32.msk $0xffff, v9  }
0xd3: {  	[tilespmem:v10+s28+$0x0] =	vst.idx.add.f32.msk $0xffff, v12  }
0xd4: {  	s7 =	sadd.s32 $0x80, s7;
	s8 =	sadd.s32 $0x80, s8;
	[tilespmem:v10+s29+$0x0] =	vst.idx.add.f32.msk $0xffff, v8  }
0xd5: {  	v8 =	vshrl.u32 v7, $0x8  }
0xd6: {  	v7 =	vand.u32 $0xFF, v7;
	_ =	sdelay $0x3  }
0xd7: {  	v9 =	vld.idx.msk [tilespmem:v8+s3+$0x0], $0xffff  }
0xd8: {  	v10 =	vld.idx.msk [tilespmem:v7+s16+$0x0], $0xffff  }
0xd9: {  	v11 =	vshll.u32 v5, $0x10;
	v12 =	vshll.u32 v6, $0x10;
	v8 =	vld.idx.msk [tilespmem:v8+s17+$0x0], $0xffff  }
0xda: {  	v5 =	vand.u32 $0xFFFF0000, v5;
	v6 =	vand.u32 $0xFFFF0000, v6;
	v11 =	vsub.f32 v11, v12;
	v7 =	vld.idx.msk [tilespmem:v7+s18+$0x0], $0xffff  }
0xdb: {  	v62 =	vshll.u32 v4, $0x10;
	v5 =	vsub.f32 v5, v6;
	v6 =	vshll.u32 v3, $0x10  }
0xdc: {  	v4 =	vand.u32 $0xFFFF0000, v4;
	v3 =	vand.u32 $0xFFFF0000, v3;
	v6 =	vsub.f32 v6, v62;
	[tilespmem:v2+s25+$0x0] =	vst.idx.add.f32.msk $0xffff, v11  }
0xdd: {  	v3 =	vsub.f32 v3, v4;
	[tilespmem:v2+s26+$0x0] =	vst.idx.add.f32.msk $0xffff, v5;
	v4 =	vshll.u32 v9, $0x10;
	v5 =	vshll.u32 v10, $0x10  }
0xde: {  	[tilespmem:v2+s28+$0x0] =	vst.idx.add.f32.msk $0xffff, v6;
	v6 =	vand.u32 $0xFFFF0000, v9;
	v63 =	vand.u32 $0xFFFF0000, v10;
	v4 =	vsub.f32 v4, v5  }
0xdf: {  	[tilespmem:v2+s29+$0x0] =	vst.idx.add.f32.msk $0xffff, v3;
	v3 =	vshll.u32 v8, $0x10;
	v2 =	vsub.f32 v6, v63;
	v5 =	vshll.u32 v7, $0x10  }
0xe0: {  	p0 =	seq.s32 s20, $0x27;
	v6 =	vand.u32 $0xFFFF0000, v7;
	v3 =	vsub.f32 v3, v5;
	[tilespmem:v1+s25+$0x0] =	vst.idx.add.f32.msk $0xffff, v4;
	v4 =	vand.u32 $0xFFFF0000, v8  }
0xe1: {  	s6 =	sshrl.u32 @!p0 s21, $0x3;
	[tilespmem:v1+s26+$0x0] =	vst.idx.add.f32.msk $0xffff, v2;
	v2 =	vsub.f32 v4, v6  }
0xe2: {  	s6 =	sadd.s32 @!p0 $0x3E8, s6;
	[tilespmem:v1+s28+$0x0] =	vst.idx.add.f32.msk $0xffff, v3  }
0xe3: {  	s8 =	simm.s32 @!p0 $0x0;
	s9 =	simm.s32 @!p0 $0xEF00;
	s7 =	sadd.s32 @!p0 s4, s6;
	[tilespmem:v1+s29+$0x0] =	vst.idx.add.f32.msk $0xffff, v2  }
0xe4: {  	[tilespmem:s9], [sflag:$0x2] =	stream.linear.gather @!p0 [hbm4b:s7+s8], $0xFA0, $0x38;
	[tilespmem:$0x12F00] =	vst v63  }
0xe5: {  	s6 =	sadd.s32 @!p0 s2, s6;
	s7 =	simm.s32 @!p0 $0x10F00  }
0xe6: {  	[tilespmem:s7], [sflag:$0x2] =	stream.linear.gather @!p0 [hbm4b:s6+s8], $0xFA0, $0x38;
	[tilespmem:$0x12F00] =	vst v63  }
0xe7: {  	_ =	swait.ge [sflag:s30], $0xFA0  }
0xe8: {  	[sflag:s30] =	ssyncset.done $0x0  }
0xe9: {  	[sflag:s30] =	ssyncadd.s32 $0xFFFFF060  }
0xea: {  	_ =	swait.ge [sflag:s30], $0xFA0  }
0xeb: {  	[sflag:s30] =	ssyncset.done $0x0  }
0xec: {  	[sflag:s30] =	ssyncadd.s32 $0xFFFFF060  }
0xed: {  	v1 =	vld [tilespmem:$0xFF00];
	_ =	sdelay $0x4  }
0xee: {  	v3 =	vshrl.u32 v1, $0x8;
	_ =	sdelay $0x1  }
0xef: {  	v2 =	vld [tilespmem:$0x11F00];
	v4 =	vand.u32 $0xFF, v1  }
0xf0: {  	v7 =	vld [tilespmem:$0xFF10]  }
0xf1: {  	v1 =	vld [tilespmem:$0x11F10]  }
0xf2: {  	v5 =	vld.idx.msk [tilespmem:v3+s3+$0x0], $0xffff  }
0xf3: {  	v3 =	vld.idx.msk [tilespmem:v3+s17+$0x0], $0xffff  }
0xf4: {  	v6 =	vld.idx.msk [tilespmem:v4+s16+$0x0], $0xffff  }
0xf5: {  	s6 =	simm.s32 $0xFFFFFFF8;
	s7 =	simm.s32 $0xFF50;
	s8 =	simm.s32 $0x11F50;
	v4 =	vld.idx.msk [tilespmem:v4+s18+$0x0], $0xffff  }
.LBB2_7:
0xf6: {  	v8 =	vshrl.u32 v7, $0x8;
	_ =	sdelay $0x1  }
0xf7: {  	v7 =	vand.u32 $0xFF, v7  }
0xf8: {  	v9 =	vld [tilespmem:s7+$0xFFFFFFD0]  }
0xf9: {  	v10 =	vld [tilespmem:s8+$0xFFFFFFD0]  }
0xfa: {  	v11 =	vld.idx.msk [tilespmem:v8+s3+$0x0], $0xffff  }
0xfb: {  	v12 =	vshll.u32 v5, $0x10;
	v13 =	vshll.u32 v6, $0x10;
	v8 =	vld.idx.msk [tilespmem:v8+s17+$0x0], $0xffff  }
0xfc: {  	v5 =	vand.u32 $0xFFFF0000, v5;
	v6 =	vand.u32 $0xFFFF0000, v6;
	v12 =	vsub.f32 v12, v13;
	v14 =	vld.idx.msk [tilespmem:v7+s16+$0x0], $0xffff  }
0xfd: {  	v25 =	vshll.u32 v4, $0x10;
	v5 =	vsub.f32 v5, v6;
	v6 =	vshll.u32 v3, $0x10;
	v7 =	vld.idx.msk [tilespmem:v7+s18+$0x0], $0xffff  }
0xfe: {  	v4 =	vand.u32 $0xFFFF0000, v4;
	v3 =	vand.u32 $0xFFFF0000, v3;
	v6 =	vsub.f32 v6, v25;
	[tilespmem:v2+s25+$0x0] =	vst.idx.add.f32.msk $0xffff, v12  }
0xff: {  	v3 =	vsub.f32 v3, v4;
	v4 =	vshrl.u32 v9, $0x8;
	[tilespmem:v2+s26+$0x0] =	vst.idx.add.f32.msk $0xffff, v5  }
0x100: {  	[tilespmem:v2+s28+$0x0] =	vst.idx.add.f32.msk $0xffff, v6  }
0x101: {  	[tilespmem:v2+s29+$0x0] =	vst.idx.add.f32.msk $0xffff, v3;
	v2 =	vand.u32 $0xFF, v9  }
0x102: {  	v3 =	vld [tilespmem:s7+$0xFFFFFFE0]  }
0x103: {  	v5 =	vld [tilespmem:s8+$0xFFFFFFE0]  }
0x104: {  	v6 =	vld.idx.msk [tilespmem:v4+s3+$0x0], $0xffff  }
0x105: {  	v4 =	vld.idx.msk [tilespmem:v4+s17+$0x0], $0xffff;
	v26 =	vshll.u32 v11, $0x10;
	v27 =	vshll.u32 v14, $0x10  }
0x106: {  	v11 =	vand.u32 $0xFFFF0000, v11;
	v14 =	vand.u32 $0xFFFF0000, v14;
	v9 =	vsub.f32 v26, v27;
	v28 =	vld.idx.msk [tilespmem:v2+s16+$0x0], $0xffff  }
0x107: {  	v29 =	vshll.u32 v8, $0x10;
	v30 =	vshll.u32 v7, $0x10;
	v11 =	vsub.f32 v11, v14;
	v2 =	vld.idx.msk [tilespmem:v2+s18+$0x0], $0xffff  }
0x108: {  	v8 =	vand.u32 $0xFFFF0000, v8;
	v7 =	vand.u32 $0xFFFF0000, v7;
	v31 =	vsub.f32 v29, v30;
	[tilespmem:v1+s25+$0x0] =	vst.idx.add.f32.msk $0xffff, v9  }
0x109: {  	v7 =	vsub.f32 v8, v7;
	[tilespmem:v1+s26+$0x0] =	vst.idx.add.f32.msk $0xffff, v11;
	v8 =	vshrl.u32 v3, $0x8  }
0x10a: {  	[tilespmem:v1+s28+$0x0] =	vst.idx.add.f32.msk $0xffff, v31  }
0x10b: {  	[tilespmem:v1+s29+$0x0] =	vst.idx.add.f32.msk $0xffff, v7;
	v1 =	vand.u32 $0xFF, v3  }
0x10c: {  	v3 =	vld [tilespmem:s7+$0xFFFFFFF0]  }
0x10d: {  	v7 =	vld [tilespmem:s8+$0xFFFFFFF0]  }
0x10e: {  	v9 =	vld.idx.msk [tilespmem:v8+s3+$0x0], $0xffff  }
0x10f: {  	v32 =	vshll.u32 v6, $0x10;
	v33 =	vshll.u32 v28, $0x10;
	v8 =	vld.idx.msk [tilespmem:v8+s17+$0x0], $0xffff  }
0x110: {  	v6 =	vand.u32 $0xFFFF0000, v6;
	v13 =	vand.u32 $0xFFFF0000, v28;
	v11 =	vsub.f32 v32, v33;
	v34 =	vld.idx.msk [tilespmem:v1+s16+$0x0], $0xffff  }
0x111: {  	v35 =	vshll.u32 v4, $0x10;
	v36 =	vshll.u32 v2, $0x10;
	v6 =	vsub.f32 v6, v13;
	v1 =	vld.idx.msk [tilespmem:v1+s18+$0x0], $0xffff  }
0x112: {  	v4 =	vand.u32 $0xFFFF0000, v4;
	v2 =	vand.u32 $0xFFFF0000, v2;
	v37 =	vsub.f32 v35, v36;
	[tilespmem:v10+s25+$0x0] =	vst.idx.add.f32.msk $0xffff, v11  }
0x113: {  	v2 =	vsub.f32 v4, v2;
	[tilespmem:v10+s26+$0x0] =	vst.idx.add.f32.msk $0xffff, v6;
	v4 =	vshrl.u32 v3, $0x8  }
0x114: {  	[tilespmem:v10+s28+$0x0] =	vst.idx.add.f32.msk $0xffff, v37  }
0x115: {  	[tilespmem:v10+s29+$0x0] =	vst.idx.add.f32.msk $0xffff, v2;
	v2 =	vand.u32 $0xFF, v3  }
0x116: {  	v3 =	vld [tilespmem:s7+$0x0]  }
0x117: {  	v6 =	vld [tilespmem:s8+$0x0]  }
0x118: {  	v10 =	vld.idx.msk [tilespmem:v4+s3+$0x0], $0xffff  }
0x119: {  	v38 =	vshll.u32 v9, $0x10;
	v39 =	vshll.u32 v34, $0x10;
	v4 =	vld.idx.msk [tilespmem:v4+s17+$0x0], $0xffff  }
0x11a: {  	v9 =	vand.u32 $0xFFFF0000, v9;
	v14 =	vand.u32 $0xFFFF0000, v34;
	v11 =	vsub.f32 v38, v39;
	v40 =	vld.idx.msk [tilespmem:v2+s16+$0x0], $0xffff  }
0x11b: {  	v41 =	vshll.u32 v8, $0x10;
	v42 =	vshll.u32 v1, $0x10;
	v9 =	vsub.f32 v9, v14;
	v2 =	vld.idx.msk [tilespmem:v2+s18+$0x0], $0xffff  }
0x11c: {  	v8 =	vand.u32 $0xFFFF0000, v8;
	v1 =	vand.u32 $0xFFFF0000, v1;
	v43 =	vsub.f32 v41, v42;
	[tilespmem:v5+s25+$0x0] =	vst.idx.add.f32.msk $0xffff, v11  }
0x11d: {  	v1 =	vsub.f32 v8, v1;
	[tilespmem:v5+s26+$0x0] =	vst.idx.add.f32.msk $0xffff, v9;
	v8 =	vshrl.u32 v3, $0x8  }
0x11e: {  	[tilespmem:v5+s28+$0x0] =	vst.idx.add.f32.msk $0xffff, v43  }
0x11f: {  	[tilespmem:v5+s29+$0x0] =	vst.idx.add.f32.msk $0xffff, v1;
	v1 =	vand.u32 $0xFF, v3  }
0x120: {  	v3 =	vld [tilespmem:s7+$0x10]  }
0x121: {  	v5 =	vld [tilespmem:s8+$0x10]  }
0x122: {  	v9 =	vld.idx.msk [tilespmem:v8+s3+$0x0], $0xffff  }
0x123: {  	v44 =	vshll.u32 v10, $0x10;
	v45 =	vshll.u32 v40, $0x10;
	v8 =	vld.idx.msk [tilespmem:v8+s17+$0x0], $0xffff  }
0x124: {  	v10 =	vand.u32 $0xFFFF0000, v10;
	v13 =	vand.u32 $0xFFFF0000, v40;
	v11 =	vsub.f32 v44, v45;
	v46 =	vld.idx.msk [tilespmem:v1+s16+$0x0], $0xffff  }
0x125: {  	v47 =	vshll.u32 v4, $0x10;
	v48 =	vshll.u32 v2, $0x10;
	v10 =	vsub.f32 v10, v13;
	v1 =	vld.idx.msk [tilespmem:v1+s18+$0x0], $0xffff  }
0x126: {  	v4 =	vand.u32 $0xFFFF0000, v4;
	v2 =	vand.u32 $0xFFFF0000, v2;
	v49 =	vsub.f32 v47, v48;
	[tilespmem:v7+s25+$0x0] =	vst.idx.add.f32.msk $0xffff, v11  }
0x127: {  	v2 =	vsub.f32 v4, v2;
	[tilespmem:v7+s26+$0x0] =	vst.idx.add.f32.msk $0xffff, v10;
	v4 =	vshrl.u32 v3, $0x8  }
0x128: {  	[tilespmem:v7+s28+$0x0] =	vst.idx.add.f32.msk $0xffff, v49  }
0x129: {  	[tilespmem:v7+s29+$0x0] =	vst.idx.add.f32.msk $0xffff, v2;
	v2 =	vand.u32 $0xFF, v3  }
0x12a: {  	v3 =	vld [tilespmem:s7+$0x20]  }
0x12b: {  	v10 =	vld [tilespmem:s8+$0x20]  }
0x12c: {  	v7 =	vld.idx.msk [tilespmem:v4+s3+$0x0], $0xffff  }
0x12d: {  	v50 =	vshll.u32 v9, $0x10;
	v51 =	vshll.u32 v46, $0x10;
	v4 =	vld.idx.msk [tilespmem:v4+s17+$0x0], $0xffff  }
0x12e: {  	v9 =	vand.u32 $0xFFFF0000, v9;
	v14 =	vand.u32 $0xFFFF0000, v46;
	v11 =	vsub.f32 v50, v51;
	v52 =	vld.idx.msk [tilespmem:v2+s16+$0x0], $0xffff  }
0x12f: {  	v54 =	vshll.u32 v8, $0x10;
	v55 =	vshll.u32 v1, $0x10;
	v53 =	vld.idx.msk [tilespmem:v2+s18+$0x0], $0xffff;
	v2 =	vsub.f32 v9, v14  }
0x130: {  	v8 =	vand.u32 $0xFFFF0000, v8;
	v1 =	vand.u32 $0xFFFF0000, v1;
	[tilespmem:v6+s25+$0x0] =	vst.idx.add.f32.msk $0xffff, v11;
	v9 =	vsub.f32 v54, v55  }
0x131: {  	v1 =	vsub.f32 v8, v1;
	v8 =	vshrl.u32 v3, $0x8;
	[tilespmem:v6+s26+$0x0] =	vst.idx.add.f32.msk $0xffff, v2  }
0x132: {  	[tilespmem:v6+s28+$0x0] =	vst.idx.add.f32.msk $0xffff, v9  }
0x133: {  	[tilespmem:v6+s29+$0x0] =	vst.idx.add.f32.msk $0xffff, v1;
	v1 =	vand.u32 $0xFF, v3  }
0x134: {  	v3 =	vld [tilespmem:s7+$0x30]  }
0x135: {  	v2 =	vld [tilespmem:s8+$0x30]  }
0x136: {  	v9 =	vld.idx.msk [tilespmem:v8+s3+$0x0], $0xffff  }
0x137: {  	v6 =	vshll.u32 v7, $0x10;
	v56 =	vshll.u32 v52, $0x10;
	v8 =	vld.idx.msk [tilespmem:v8+s17+$0x0], $0xffff  }
0x138: {  	v7 =	vand.u32 $0xFFFF0000, v7;
	v13 =	vand.u32 $0xFFFF0000, v52;
	v6 =	vsub.f32 v6, v56;
	v57 =	vld.idx.msk [tilespmem:v1+s16+$0x0], $0xffff  }
0x139: {  	v59 =	vshll.u32 v53, $0x10;
	v58 =	vld.idx.msk [tilespmem:v1+s18+$0x0], $0xffff;
	v1 =	vsub.f32 v7, v13;
	v7 =	vshll.u32 v4, $0x10  }
0x13a: {  	[tilespmem:v5+s25+$0x0] =	vst.idx.add.f32.msk $0xffff, v6;
	v4 =	vand.u32 $0xFFFF0000, v4;
	v6 =	vand.u32 $0xFFFF0000, v53;
	v7 =	vsub.f32 v7, v59  }
0x13b: {  	[tilespmem:v5+s26+$0x0] =	vst.idx.add.f32.msk $0xffff, v1;
	v1 =	vsub.f32 v4, v6;
	v4 =	vshrl.u32 v3, $0x8  }
0x13c: {  	[tilespmem:v5+s28+$0x0] =	vst.idx.add.f32.msk $0xffff, v7  }
0x13d: {  	v60 =	vand.u32 $0xFF, v3;
	[tilespmem:v5+s29+$0x0] =	vst.idx.add.f32.msk $0xffff, v1  }
0x13e: {  	v7 =	vld [tilespmem:s7+$0x40]  }
0x13f: {  	v1 =	vld [tilespmem:s8+$0x40]  }
0x140: {  	v5 =	vld.idx.msk [tilespmem:v4+s3+$0x0], $0xffff  }
0x141: {  	s6 =	sadd.s32 $0x8, s6;
	v61 =	vshll.u32 v57, $0x10;
	v3 =	vld.idx.msk [tilespmem:v4+s17+$0x0], $0xffff;
	v4 =	vshll.u32 v9, $0x10  }
0x142: {  	p0 =	slt.u32 s6, $0xF0;
	v14 =	vand.u32 $0xFFFF0000, v57;
	v6 =	vld.idx.msk [tilespmem:v60+s16+$0x0], $0xffff;
	v9 =	vand.u32 $0xFFFF0000, v9;
	v13 =	vsub.f32 v4, v61  }
.Ltmp2:
0x143: {  	v62 =	vshll.u32 v8, $0x10;
	v63 =	vshll.u32 v58, $0x10;
	v4 =	vld.idx.msk [tilespmem:v60+s18+$0x0], $0xffff;
	v9 =	vsub.f32 v9, v14;
	(pc) =	sbr.rel @p0 .LBB2_7-.Ltmp2, $4  }
0x144: {  	v8 =	vand.u32 $0xFFFF0000, v8;
	v11 =	vand.u32 $0xFFFF0000, v58;
	v12 =	vsub.f32 v62, v63;
	[tilespmem:v10+s25+$0x0] =	vst.idx.add.f32.msk $0xffff, v13  }
0x145: {  	v8 =	vsub.f32 v8, v11;
	[tilespmem:v10+s26+$0x0] =	vst.idx.add.f32.msk $0xffff, v9  }
0x146: {  	[tilespmem:v10+s28+$0x0] =	vst.idx.add.f32.msk $0xffff, v12  }
0x147: {  	s7 =	sadd.s32 $0x80, s7;
	s8 =	sadd.s32 $0x80, s8;
	[tilespmem:v10+s29+$0x0] =	vst.idx.add.f32.msk $0xffff, v8  }
0x148: {  	v8 =	vshrl.u32 v7, $0x8  }
0x149: {  	v51 =	vand.u32 $0xFF, v7;
	_ =	sdelay $0x3  }
0x14a: {  	v9 =	vld.idx.msk [tilespmem:v8+s3+$0x0], $0xffff  }
0x14b: {  	v10 =	vld.idx.msk [tilespmem:v51+s16+$0x0], $0xffff  }
0x14c: {  	v11 =	vshll.u32 v5, $0x10;
	v12 =	vshll.u32 v6, $0x10;
	v8 =	vld.idx.msk [tilespmem:v8+s17+$0x0], $0xffff  }
0x14d: {  	v52 =	vand.u32 $0xFFFF0000, v5;
	v53 =	vand.u32 $0xFFFF0000, v6;
	v11 =	vsub.f32 v11, v12;
	v7 =	vld.idx.msk [tilespmem:v51+s18+$0x0], $0xffff  }
0x14e: {  	v54 =	vshll.u32 v3, $0x10;
	v55 =	vshll.u32 v4, $0x10;
	v5 =	vsub.f32 v52, v53  }
0x14f: {  	v3 =	vand.u32 $0xFFFF0000, v3;
	v56 =	vand.u32 $0xFFFF0000, v4;
	v6 =	vsub.f32 v54, v55;
	[tilespmem:v2+s25+$0x0] =	vst.idx.add.f32.msk $0xffff, v11  }
0x150: {  	s20 =	sadd.s32 $0x1, s20;
	v3 =	vsub.f32 v3, v56;
	[tilespmem:v2+s26+$0x0] =	vst.idx.add.f32.msk $0xffff, v5;
	v57 =	vshll.u32 v9, $0x10;
	v58 =	vshll.u32 v10, $0x10  }
0x151: {  	p0 =	sne.s32 s20, $0x28;
	[tilespmem:v2+s28+$0x0] =	vst.idx.add.f32.msk $0xffff, v6;
	v59 =	vand.u32 $0xFFFF0000, v9;
	v60 =	vand.u32 $0xFFFF0000, v10;
	v4 =	vsub.f32 v57, v58  }
.Ltmp3:
0x152: {  	[tilespmem:v2+s29+$0x0] =	vst.idx.add.f32.msk $0xffff, v3;
	v3 =	vshll.u32 v8, $0x10;
	v61 =	vshll.u32 v7, $0x10;
	v2 =	vsub.f32 v59, v60;
	(pc) =	sbr.rel @p0 .LBB2_4-.Ltmp3, $4  }
0x153: {  	v62 =	vand.u32 $0xFFFF0000, v8;
	v63 =	vand.u32 $0xFFFF0000, v7;
	v3 =	vsub.f32 v3, v61;
	[tilespmem:v1+s25+$0x0] =	vst.idx.add.f32.msk $0xffff, v4  }
0x154: {  	[tilespmem:v1+s26+$0x0] =	vst.idx.add.f32.msk $0xffff, v2;
	v2 =	vsub.f32 v62, v63  }
0x155: {  	[tilespmem:v1+s28+$0x0] =	vst.idx.add.f32.msk $0xffff, v3  }
0x156: {  	[tilespmem:v1+s29+$0x0] =	vst.idx.add.f32.msk $0xffff, v2  }
0x157: {  	s6 =	rddreg [dreg:$0x6]  }
0x158: {  	[hbm4b:s6+s14] =	stream.strided.scatter [tilespmem:s25], [sflag:$0x4], $0x2780, s31, s14, $0x38;
	[tilespmem:$0x12F00] =	vst v63  }
0x159: {  	_ =	swait.ge [sflag:s0], $0x2780  }
0x15a: {  	[sflag:s0] =	ssyncset.done $0x0  }
0x15b: {  	[sflag:s0] =	ssyncadd.s32 $0xFFFFD880  }
0x15c: {  	[hbm4b:s10+s14] =	stream.strided.scatter [tilespmem:s26], [sflag:$0x4], $0x2780, s31, s14, $0x38;
	[tilespmem:$0x12F00] =	vst v63  }
0x15d: {  	_ =	swait.ge [sflag:s0], $0x2780  }
0x15e: {  	[sflag:s0] =	ssyncset.done $0x0  }
0x15f: {  	[sflag:s0] =	ssyncadd.s32 $0xFFFFD880  }
0x160: {  	[hbm4b:s11+s14] =	stream.strided.scatter [tilespmem:s28], [sflag:$0x4], $0x2780, s31, s14, $0x38;
	[tilespmem:$0x12F00] =	vst v63  }
0x161: {  	s1 =	sadd.s32 $0x1, s1;
	_ =	swait.ge [sflag:s0], $0x2780  }
0x162: {  	p0 =	sne.s32 s1, s13;
	[sflag:s0] =	ssyncset.done $0x0  }
.Ltmp4:
0x163: {  	[sflag:s0] =	ssyncadd.s32 $0xFFFFD880;
	(pc) =	sbr.rel @p0 .LBB2_1-.Ltmp4, $4  }
0x164: {  	[hbm4b:s12+s14] =	stream.strided.scatter [tilespmem:s29], [sflag:$0x4], $0x2780, s31, s14, $0x38;
	[tilespmem:$0x12F00] =	vst v63  }
0x165: {  	_ =	swait.ge [sflag:s0], $0x2780  }
0x166: {  	[sflag:s0] =	ssyncset.done $0x0  }
0x167: {  	[sflag:s0] =	ssyncadd.s32 $0xFFFFD880  }
0x168: {  	_ =	sfence.sel $0x180000  }
0x169: {  	[bflag:$0x0] =	sbarrier.arrive $0xFFFF  }
0x16a: {  	_ =	strace $0x90000047  }
0x16b: {  	s0 =	stileid.u32;
	[bflag:$0x2] =	sbarrier.arrive $0xFFFF  }
0x16c: {  	p0 =	sne.s32 s0, $0x0;
	s0 =	rddreg [dreg:$0x2]  }
0x16d: {  	s0 =	sadd.s32 @!p0 $0x100000, s0  }
0x16e: {  	[sflag:s0] =	ssyncadd.tile.s32 @!p0 $0x1;
	_ =	shalt  }
.Lfunc_end2:
_tile_overlayer_lowered:
.L_overlay_start_2:
0x16f: {  	(tag) =	ssettag $0x2  }
0x170: {  	s0 =	rddreg [dreg:$0x0];
	s2 =	stileid.u32  }
0x171: {  	s1 =	rddreg [dreg:$0x1];
	p0 =	sne.s32 s2, $0x0  }
0x172: {  	s3 =	rddreg [dreg:$0x2];
	[bflag:$0x3] =	sbarrier.arrive $0xFFFF;
	s2 =	simm.s32 @!p0 $0x1C04  }
0x173: {  	[timem:s3], [sflag:s2] =	dma.local @!p0 [hbm:s0], s1  }
0x174: {  	s0 =	simm.s32 @!p0 $0x4  }
0x175: {  	_ =	swait.ge @!p0 [sflag:s0], s1  }
0x176: {  	s1 =	ssub.s32 @!p0 $0x0, s1;
	[sflag:s0] =	ssyncset.done @!p0 $0x0  }
0x177: {  	[sflag:s0] =	ssyncadd.s32 @!p0 s1  }
0x178: {  	[bflag:$0x3] =	sbarrier.arrive $0xFFFF  }
0x179: {  	_ =	shalt  }

</sc_bundles>
